<compile_context>
chip_gen: v7x
topology: tpu7x:2x2x1
jax: 0.10.2.dev20260603
libtpu: 0.0.44.dev20260713+nightly
codegen_flags: <defaults>
</compile_context>

<pallas_src>
import functools

import jax
import jax.numpy as jnp
from jax import lax
from jax.experimental import pallas as pl
from jax.experimental.pallas import tpu as pltpu
from jax.experimental.pallas import tpu_sc as plsc

B = 16384
L = 50
V = 1000000
D = 128

NC = 2
NS = 16
NW = NC * NS
IPT = B // NW
K = 4
NCH = IPT // K
ROWS = K * L
LANES = 16
NB = 4
STREAMS = ((0, 128), (128, 72))

_mesh = plsc.VectorSubcoreMesh(core_axis_name="c", subcore_axis_name="s")


@functools.partial(
    pl.kernel,
    out_type=jax.ShapeDtypeStruct((B,), jnp.float32),
    mesh=_mesh,
    compiler_params=pltpu.CompilerParams(
        needs_layout_passes=False,
        disable_bounds_checks=True,
        disable_semaphore_checks=True,
        skip_device_barrier=True,
    ),
    scratch_types=(
        [pltpu.VMEM((ROWS,), jnp.int32) for _ in range(NB)]
        + [pltpu.VMEM((ROWS, D), jnp.float32) for _ in range(NB)]
        + [
            pltpu.VMEM((L * D,), jnp.float32),
            pltpu.VMEM((LANES,), jnp.float32),
            pltpu.VMEM((IPT,), jnp.float32),
            pltpu.VMEM((LANES, LANES), jnp.float32),
        ]
        + [pltpu.SemaphoreType.DMA for _ in range(2 * NB)]
    ),
)
def _glove_sc(x_hbm, w_hbm, b_hbm, table_hbm, out_hbm, *scratch):
    idx = scratch[:NB]
    rows = scratch[NB:2 * NB]
    w_v, b_v, out_v, trans_v = scratch[2 * NB:2 * NB + 4]
    sem = scratch[2 * NB + 4:2 * NB + 4 + NB]
    isem = scratch[2 * NB + 4 + NB:]
    wid = lax.axis_index("s") * NC + lax.axis_index("c")
    base = wid * IPT
    pltpu.sync_copy(w_hbm, w_v)
    pltpu.sync_copy(b_hbm, b_v)

    def idx_src(g):
        return x_hbm.at[pl.ds((base + g * K) * L, ROWS)]

    def fire_idx(g, j):
        pltpu.async_copy(idx_src(g), idx[j], isem[j])

    def wait_idx(g, j):
        pltpu.make_async_copy(idx_src(g), idx[j], isem[j]).wait()

    def fire(g, j):
        for off, n in STREAMS:
            pltpu.async_copy(
                table_hbm.at[idx[j].at[pl.ds(off, n)]],
                rows[j].at[pl.ds(off, n)], sem[j],
            )

    def drain(j):
        for off, n in STREAMS:
            pltpu.make_async_copy(
                table_hbm.at[idx[j].at[pl.ds(off, n)]],
                rows[j].at[pl.ds(off, n)], sem[j],
            ).wait()

    def compute(g, j, phase):
        rows_b = rows[j]

        def l_body(l, accs):
            new = list(accs)
            for c in range(D // LANES):
                w = w_v[pl.ds(l * D + c * LANES, LANES)]
                for k in range(K):
                    r = rows_b[k * L + l, pl.ds(c * LANES, LANES)]
                    new[k] = new[k] + r * w
            return tuple(new)

        zero = jnp.zeros((LANES,), jnp.float32)
        accs = lax.fori_loop(0, L, l_body, (zero,) * K)
        for k in range(K):
            trans_v[phase * K + k, :] = accs[k]
        if phase == LANES // K - 1:
            lane = lax.iota(jnp.int32, LANES)
            res = b_v[...]
            for c in range(LANES):
                col = jnp.full((LANES,), c, jnp.int32)
                res = res + plsc.load_gather(trans_v, [lane, col])
            out_v[pl.ds((g - 3) * K, LANES)] = res

    for g in range(NB - 1):
        fire_idx(g, g)
    for g in range(NB - 1):
        wait_idx(g, g)
        fire(g, g)
    fire_idx(NB - 1, NB - 1)

    def quad_body(i, carry):
        g0 = i * NB
        for p in range(NB):
            g = g0 + p

            @pl.when(g + NB - 1 < NCH)
            def _():
                wait_idx(g + NB - 1, (p + NB - 1) % NB)
                fire(g + NB - 1, (p + NB - 1) % NB)

            drain(p)

            @pl.when(g + NB < NCH)
            def _():
                fire_idx(g + NB, p)

            compute(g, p, p % (LANES // K))
        return carry

    lax.fori_loop(0, NCH // NB, quad_body, 0)
    pltpu.sync_copy(out_v, out_hbm.at[pl.ds(base, IPT)])


def kernel(x, table, W, b):
    x_flat = x.reshape(B * L)
    w_flat = W.reshape(L * D)
    b16 = jnp.broadcast_to(b, (LANES,))
    return _glove_sc(x_flat, w_flat, b16, table)

# --- scband reference (transcript-rebuilt; emitter-appended) ---
"""Pipeline reference for scband-glo-ve-embedding-net-11914239279634 (READ-ONLY COPY).

The authoritative reference and input builder live on the scoring server;
editing this copy changes nothing except your own understanding.
"""

import jax, jax.numpy as jnp
import numpy as np

B = 16384
L = 50
V = 1000000
D = 128


def setup_inputs(seed: int = 0) -> dict:
    key = jax.random.key(seed)
    k1, k2, k3 = jax.random.split(key, 3)
    x = jax.random.randint(k1, (B, L), 0, V, dtype=jnp.int32)
    # pretrained GloVe-like embedding table (frozen in the torch module)
    table = jax.random.normal(k2, (V, D), dtype=jnp.float32)
    # nn.Linear(seq_length*embedding_dim, 1)
    fan_in = L * D
    bound = 1.0 / np.sqrt(fan_in)
    W = jax.random.uniform(k3, (1, fan_in), dtype=jnp.float32, minval=-bound, maxval=bound)
    b = jnp.zeros((1,), dtype=jnp.float32)
    return {"x": x, "table": table, "W": W, "b": b}


def reference(x, table, W, b):
    # embedding lookup: gather rows of the table
    embedded = jnp.take(table, x, axis=0)           # [B, L, D]
    flatten = embedded.reshape(-1, L * D)            # [B, L*D]
    out = flatten @ W.T + b                          # [B, 1]
    return out.squeeze(-1)                           # [B]

if __name__ == "__main__":
    import jax
    _d = setup_inputs()
    print(jax.jit(kernel)(*tuple(_d.values())))

</pallas_src>

<mosaic_0001>
#map = affine_map<(d0, d1) -> (0)>
#map1 = affine_map<(d0, d1) -> (0, 0)>
module attributes {stable_mosaic.version = 14 : i64} {
  func.func @_glove_sc(%arg0: i32, %arg1: i32, %arg2: memref<819200xi32, #tpu.memory_space<hbm>>, %arg3: memref<6400xf32, #tpu.memory_space<hbm>>, %arg4: memref<16xf32, #tpu.memory_space<hbm>>, %arg5: memref<1000000x128xf32, #tpu.memory_space<hbm>>, %arg6: memref<16384xf32, #tpu.memory_space<hbm>>, %arg7: memref<200xi32, #tpu.memory_space<vmem>>, %arg8: memref<200xi32, #tpu.memory_space<vmem>>, %arg9: memref<200xi32, #tpu.memory_space<vmem>>, %arg10: memref<200xi32, #tpu.memory_space<vmem>>, %arg11: memref<200x128xf32, #tpu.memory_space<vmem>>, %arg12: memref<200x128xf32, #tpu.memory_space<vmem>>, %arg13: memref<200x128xf32, #tpu.memory_space<vmem>>, %arg14: memref<200x128xf32, #tpu.memory_space<vmem>>, %arg15: memref<6400xf32, #tpu.memory_space<vmem>>, %arg16: memref<16xf32, #tpu.memory_space<vmem>>, %arg17: memref<512xf32, #tpu.memory_space<vmem>>, %arg18: memref<16x16xf32, #tpu.memory_space<vmem>>, %arg19: memref<!tpu.dma_semaphore, #tpu.memory_space<semaphore_mem>>, %arg20: memref<!tpu.dma_semaphore, #tpu.memory_space<semaphore_mem>>, %arg21: memref<!tpu.dma_semaphore, #tpu.memory_space<semaphore_mem>>, %arg22: memref<!tpu.dma_semaphore, #tpu.memory_space<semaphore_mem>>, %arg23: memref<!tpu.dma_semaphore, #tpu.memory_space<semaphore_mem>>, %arg24: memref<!tpu.dma_semaphore, #tpu.memory_space<semaphore_mem>>, %arg25: memref<!tpu.dma_semaphore, #tpu.memory_space<semaphore_mem>>, %arg26: memref<!tpu.dma_semaphore, #tpu.memory_space<semaphore_mem>>) attributes {dimension_semantics = [#tpu.dimension_semantics<core_parallel>, #tpu.dimension_semantics<subcore_parallel>], iteration_bounds = array<i64: 2, 16>, scalar_prefetch = 0 : i64, scratch_operands = 20 : i64, tpu.core_type = #tpu.core_type<sc_vector_subcore>, window_params = [{transform_indices = #map}, {transform_indices = #map}, {transform_indices = #map}, {transform_indices = #map1}, {transform_indices = #map}]} {
    %mul3A = arith.constant 2 : i32
    %mul3A_0 = arith.muli %arg1, %mul3A : i32
    %add3A = arith.addi %mul3A_0, %arg0 : i32
    %mul3A_1 = arith.constant 512 : i32
    %mul3A_2 = arith.muli %add3A, %mul3A_1 : i32
    "tpu.region"() ({
      %run_scoped3A = tpu.sem_alloc : memref<!tpu.dma_semaphore, #tpu.memory_space<semaphore_mem>>
      tpu.enqueue_dma source(%arg3 : memref<6400xf32, #tpu.memory_space<hbm>>) target(%arg15 : memref<6400xf32, #tpu.memory_space<vmem>>) target_semaphore(%run_scoped3A : memref<!tpu.dma_semaphore, #tpu.memory_space<semaphore_mem>>)
      tpu.wait_dma2 semaphore(%run_scoped3A : memref<!tpu.dma_semaphore, #tpu.memory_space<semaphore_mem>>) src(%arg3 : memref<6400xf32, #tpu.memory_space<hbm>>) dst(%arg15 : memref<6400xf32, #tpu.memory_space<vmem>>)
      tpu.yield
    }) : () -> ()
    "tpu.region"() ({
      %run_scoped3A = tpu.sem_alloc : memref<!tpu.dma_semaphore, #tpu.memory_space<semaphore_mem>>
      tpu.enqueue_dma source(%arg4 : memref<16xf32, #tpu.memory_space<hbm>>) target(%arg16 : memref<16xf32, #tpu.memory_space<vmem>>) target_semaphore(%run_scoped3A : memref<!tpu.dma_semaphore, #tpu.memory_space<semaphore_mem>>)
      tpu.wait_dma2 semaphore(%run_scoped3A : memref<!tpu.dma_semaphore, #tpu.memory_space<semaphore_mem>>) src(%arg4 : memref<16xf32, #tpu.memory_space<hbm>>) dst(%arg16 : memref<16xf32, #tpu.memory_space<vmem>>)
      tpu.yield
    }) : () -> ()
    %add3A_3 = arith.constant 0 : i32
    %add3A_4 = arith.addi %mul3A_2, %add3A_3 : i32
    %mul3A_5 = arith.constant 50 : i32
    %mul3A_6 = arith.muli %add3A_4, %mul3A_5 : i32
    %dma_start3A = tpu.memref_slice %arg2[%mul3A_6] : memref<819200xi32, #tpu.memory_space<hbm>> -> memref<200xi32, #tpu.memory_space<hbm>>
    %dma_start3A_7 = tpu.memref_slice %arg2[%mul3A_6] : memref<819200xi32, #tpu.memory_space<hbm>> -> memref<200xi32, #tpu.memory_space<hbm>>
    tpu.enqueue_dma source(%dma_start3A_7 : memref<200xi32, #tpu.memory_space<hbm>>) target(%arg7 : memref<200xi32, #tpu.memory_space<vmem>>) target_semaphore(%arg23 : memref<!tpu.dma_semaphore, #tpu.memory_space<semaphore_mem>>)
    %add3A_8 = arith.constant 4 : i32
    %add3A_9 = arith.addi %mul3A_2, %add3A_8 : i32
    %mul3A_10 = arith.constant 50 : i32
    %mul3A_11 = arith.muli %add3A_9, %mul3A_10 : i32
    %dma_start3A_12 = tpu.memref_slice %arg2[%mul3A_11] : memref<819200xi32, #tpu.memory_space<hbm>> -> memref<200xi32, #tpu.memory_space<hbm>>
    %dma_start3A_13 = tpu.memref_slice %arg2[%mul3A_11] : memref<819200xi32, #tpu.memory_space<hbm>> -> memref<200xi32, #tpu.memory_space<hbm>>
    tpu.enqueue_dma source(%dma_start3A_13 : memref<200xi32, #tpu.memory_space<hbm>>) target(%arg8 : memref<200xi32, #tpu.memory_space<vmem>>) target_semaphore(%arg24 : memref<!tpu.dma_semaphore, #tpu.memory_space<semaphore_mem>>)
    %add3A_14 = arith.constant 8 : i32
    %add3A_15 = arith.addi %mul3A_2, %add3A_14 : i32
    %mul3A_16 = arith.constant 50 : i32
    %mul3A_17 = arith.muli %add3A_15, %mul3A_16 : i32
    %dma_start3A_18 = tpu.memref_slice %arg2[%mul3A_17] : memref<819200xi32, #tpu.memory_space<hbm>> -> memref<200xi32, #tpu.memory_space<hbm>>
    %dma_start3A_19 = tpu.memref_slice %arg2[%mul3A_17] : memref<819200xi32, #tpu.memory_space<hbm>> -> memref<200xi32, #tpu.memory_space<hbm>>
    tpu.enqueue_dma source(%dma_start3A_19 : memref<200xi32, #tpu.memory_space<hbm>>) target(%arg9 : memref<200xi32, #tpu.memory_space<vmem>>) target_semaphore(%arg25 : memref<!tpu.dma_semaphore, #tpu.memory_space<semaphore_mem>>)
    %add3A_20 = arith.constant 0 : i32
    %add3A_21 = arith.addi %mul3A_2, %add3A_20 : i32
    %mul3A_22 = arith.constant 50 : i32
    %mul3A_23 = arith.muli %add3A_21, %mul3A_22 : i32
    %dma_wait3A = tpu.memref_slice %arg2[%mul3A_23] : memref<819200xi32, #tpu.memory_space<hbm>> -> memref<200xi32, #tpu.memory_space<hbm>>
    %dma_wait3A_24 = tpu.memref_slice %arg2[%mul3A_23] : memref<819200xi32, #tpu.memory_space<hbm>> -> memref<200xi32, #tpu.memory_space<hbm>>
    tpu.wait_dma2 semaphore(%arg23 : memref<!tpu.dma_semaphore, #tpu.memory_space<semaphore_mem>>) src(%dma_wait3A_24 : memref<200xi32, #tpu.memory_space<hbm>>) dst(%arg7 : memref<200xi32, #tpu.memory_space<vmem>>)
    %dma_start3A_25 = arith.constant 0 : i32
    %dma_start3A_26 = arith.constant 0 : i32
    %dma_start3A_27 = tpu.memref_slice %arg11[%dma_start3A_25, %dma_start3A_26] : memref<200x128xf32, #tpu.memory_space<vmem>> -> memref<128x128xf32, #tpu.memory_space<vmem>>
    %dma_start3A_28 = arith.constant 0 : i32
    %dma_start3A_29 = tpu.memref_slice %arg7[%dma_start3A_28] : memref<200xi32, #tpu.memory_space<vmem>> -> memref<128xi32, #tpu.memory_space<vmem>>
    %dma_start3A_30 = arith.constant 0 : i32
    %dma_start3A_31 = arith.constant 0 : i32
    %dma_start3A_32 = tpu.memref_slice %arg5[%dma_start3A_30, %dma_start3A_31] : memref<1000000x128xf32, #tpu.memory_space<hbm>> -> memref<1000000x128xf32, #tpu.memory_space<hbm>>
    tpu.enqueue_indirect_dma source(%dma_start3A_32 : memref<1000000x128xf32, #tpu.memory_space<hbm>>) target(%dma_start3A_27 : memref<128x128xf32, #tpu.memory_space<vmem>>) offsets(%dma_start3A_29 : memref<128xi32, #tpu.memory_space<vmem>>) semaphore(%arg19 : memref<!tpu.dma_semaphore, #tpu.memory_space<semaphore_mem>>)
    %dma_start3A_33 = arith.constant 128 : i32
    %dma_start3A_34 = arith.constant 0 : i32
    %dma_start3A_35 = tpu.memref_slice %arg11[%dma_start3A_33, %dma_start3A_34] : memref<200x128xf32, #tpu.memory_space<vmem>> -> memref<72x128xf32, #tpu.memory_space<vmem>>
    %dma_start3A_36 = arith.constant 128 : i32
    %dma_start3A_37 = tpu.memref_slice %arg7[%dma_start3A_36] : memref<200xi32, #tpu.memory_space<vmem>> -> memref<72xi32, #tpu.memory_space<vmem>>
    %dma_start3A_38 = arith.constant 0 : i32
    %dma_start3A_39 = arith.constant 0 : i32
    %dma_start3A_40 = tpu.memref_slice %arg5[%dma_start3A_38, %dma_start3A_39] : memref<1000000x128xf32, #tpu.memory_space<hbm>> -> memref<1000000x128xf32, #tpu.memory_space<hbm>>
    tpu.enqueue_indirect_dma source(%dma_start3A_40 : memref<1000000x128xf32, #tpu.memory_space<hbm>>) target(%dma_start3A_35 : memref<72x128xf32, #tpu.memory_space<vmem>>) offsets(%dma_start3A_37 : memref<72xi32, #tpu.memory_space<vmem>>) semaphore(%arg19 : memref<!tpu.dma_semaphore, #tpu.memory_space<semaphore_mem>>)
    %add3A_41 = arith.constant 4 : i32
    %add3A_42 = arith.addi %mul3A_2, %add3A_41 : i32
    %mul3A_43 = arith.constant 50 : i32
    %mul3A_44 = arith.muli %add3A_42, %mul3A_43 : i32
    %dma_wait3A_45 = tpu.memref_slice %arg2[%mul3A_44] : memref<819200xi32, #tpu.memory_space<hbm>> -> memref<200xi32, #tpu.memory_space<hbm>>
    %dma_wait3A_46 = tpu.memref_slice %arg2[%mul3A_44] : memref<819200xi32, #tpu.memory_space<hbm>> -> memref<200xi32, #tpu.memory_space<hbm>>
    tpu.wait_dma2 semaphore(%arg24 : memref<!tpu.dma_semaphore, #tpu.memory_space<semaphore_mem>>) src(%dma_wait3A_46 : memref<200xi32, #tpu.memory_space<hbm>>) dst(%arg8 : memref<200xi32, #tpu.memory_space<vmem>>)
    %dma_start3A_47 = arith.constant 0 : i32
    %dma_start3A_48 = arith.constant 0 : i32
    %dma_start3A_49 = tpu.memref_slice %arg12[%dma_start3A_47, %dma_start3A_48] : memref<200x128xf32, #tpu.memory_space<vmem>> -> memref<128x128xf32, #tpu.memory_space<vmem>>
    %dma_start3A_50 = arith.constant 0 : i32
    %dma_start3A_51 = tpu.memref_slice %arg8[%dma_start3A_50] : memref<200xi32, #tpu.memory_space<vmem>> -> memref<128xi32, #tpu.memory_space<vmem>>
    %dma_start3A_52 = arith.constant 0 : i32
    %dma_start3A_53 = arith.constant 0 : i32
    %dma_start3A_54 = tpu.memref_slice %arg5[%dma_start3A_52, %dma_start3A_53] : memref<1000000x128xf32, #tpu.memory_space<hbm>> -> memref<1000000x128xf32, #tpu.memory_space<hbm>>
    tpu.enqueue_indirect_dma source(%dma_start3A_54 : memref<1000000x128xf32, #tpu.memory_space<hbm>>) target(%dma_start3A_49 : memref<128x128xf32, #tpu.memory_space<vmem>>) offsets(%dma_start3A_51 : memref<128xi32, #tpu.memory_space<vmem>>) semaphore(%arg20 : memref<!tpu.dma_semaphore, #tpu.memory_space<semaphore_mem>>)
    %dma_start3A_55 = arith.constant 128 : i32
    %dma_start3A_56 = arith.constant 0 : i32
    %dma_start3A_57 = tpu.memref_slice %arg12[%dma_start3A_55, %dma_start3A_56] : memref<200x128xf32, #tpu.memory_space<vmem>> -> memref<72x128xf32, #tpu.memory_space<vmem>>
    %dma_start3A_58 = arith.constant 128 : i32
    %dma_start3A_59 = tpu.memref_slice %arg8[%dma_start3A_58] : memref<200xi32, #tpu.memory_space<vmem>> -> memref<72xi32, #tpu.memory_space<vmem>>
    %dma_start3A_60 = arith.constant 0 : i32
    %dma_start3A_61 = arith.constant 0 : i32
    %dma_start3A_62 = tpu.memref_slice %arg5[%dma_start3A_60, %dma_start3A_61] : memref<1000000x128xf32, #tpu.memory_space<hbm>> -> memref<1000000x128xf32, #tpu.memory_space<hbm>>
    tpu.enqueue_indirect_dma source(%dma_start3A_62 : memref<1000000x128xf32, #tpu.memory_space<hbm>>) target(%dma_start3A_57 : memref<72x128xf32, #tpu.memory_space<vmem>>) offsets(%dma_start3A_59 : memref<72xi32, #tpu.memory_space<vmem>>) semaphore(%arg20 : memref<!tpu.dma_semaphore, #tpu.memory_space<semaphore_mem>>)
    %add3A_63 = arith.constant 8 : i32
    %add3A_64 = arith.addi %mul3A_2, %add3A_63 : i32
    %mul3A_65 = arith.constant 50 : i32
    %mul3A_66 = arith.muli %add3A_64, %mul3A_65 : i32
    %dma_wait3A_67 = tpu.memref_slice %arg2[%mul3A_66] : memref<819200xi32, #tpu.memory_space<hbm>> -> memref<200xi32, #tpu.memory_space<hbm>>
    %dma_wait3A_68 = tpu.memref_slice %arg2[%mul3A_66] : memref<819200xi32, #tpu.memory_space<hbm>> -> memref<200xi32, #tpu.memory_space<hbm>>
    tpu.wait_dma2 semaphore(%arg25 : memref<!tpu.dma_semaphore, #tpu.memory_space<semaphore_mem>>) src(%dma_wait3A_68 : memref<200xi32, #tpu.memory_space<hbm>>) dst(%arg9 : memref<200xi32, #tpu.memory_space<vmem>>)
    %dma_start3A_69 = arith.constant 0 : i32
    %dma_start3A_70 = arith.constant 0 : i32
    %dma_start3A_71 = tpu.memref_slice %arg13[%dma_start3A_69, %dma_start3A_70] : memref<200x128xf32, #tpu.memory_space<vmem>> -> memref<128x128xf32, #tpu.memory_space<vmem>>
    %dma_start3A_72 = arith.constant 0 : i32
    %dma_start3A_73 = tpu.memref_slice %arg9[%dma_start3A_72] : memref<200xi32, #tpu.memory_space<vmem>> -> memref<128xi32, #tpu.memory_space<vmem>>
    %dma_start3A_74 = arith.constant 0 : i32
    %dma_start3A_75 = arith.constant 0 : i32
    %dma_start3A_76 = tpu.memref_slice %arg5[%dma_start3A_74, %dma_start3A_75] : memref<1000000x128xf32, #tpu.memory_space<hbm>> -> memref<1000000x128xf32, #tpu.memory_space<hbm>>
    tpu.enqueue_indirect_dma source(%dma_start3A_76 : memref<1000000x128xf32, #tpu.memory_space<hbm>>) target(%dma_start3A_71 : memref<128x128xf32, #tpu.memory_space<vmem>>) offsets(%dma_start3A_73 : memref<128xi32, #tpu.memory_space<vmem>>) semaphore(%arg21 : memref<!tpu.dma_semaphore, #tpu.memory_space<semaphore_mem>>)
    %dma_start3A_77 = arith.constant 128 : i32
    %dma_start3A_78 = arith.constant 0 : i32
    %dma_start3A_79 = tpu.memref_slice %arg13[%dma_start3A_77, %dma_start3A_78] : memref<200x128xf32, #tpu.memory_space<vmem>> -> memref<72x128xf32, #tpu.memory_space<vmem>>
    %dma_start3A_80 = arith.constant 128 : i32
    %dma_start3A_81 = tpu.memref_slice %arg9[%dma_start3A_80] : memref<200xi32, #tpu.memory_space<vmem>> -> memref<72xi32, #tpu.memory_space<vmem>>
    %dma_start3A_82 = arith.constant 0 : i32
    %dma_start3A_83 = arith.constant 0 : i32
    %dma_start3A_84 = tpu.memref_slice %arg5[%dma_start3A_82, %dma_start3A_83] : memref<1000000x128xf32, #tpu.memory_space<hbm>> -> memref<1000000x128xf32, #tpu.memory_space<hbm>>
    tpu.enqueue_indirect_dma source(%dma_start3A_84 : memref<1000000x128xf32, #tpu.memory_space<hbm>>) target(%dma_start3A_79 : memref<72x128xf32, #tpu.memory_space<vmem>>) offsets(%dma_start3A_81 : memref<72xi32, #tpu.memory_space<vmem>>) semaphore(%arg21 : memref<!tpu.dma_semaphore, #tpu.memory_space<semaphore_mem>>)
    %add3A_85 = arith.constant 12 : i32
    %add3A_86 = arith.addi %mul3A_2, %add3A_85 : i32
    %mul3A_87 = arith.constant 50 : i32
    %mul3A_88 = arith.muli %add3A_86, %mul3A_87 : i32
    %dma_start3A_89 = tpu.memref_slice %arg2[%mul3A_88] : memref<819200xi32, #tpu.memory_space<hbm>> -> memref<200xi32, #tpu.memory_space<hbm>>
    %dma_start3A_90 = tpu.memref_slice %arg2[%mul3A_88] : memref<819200xi32, #tpu.memory_space<hbm>> -> memref<200xi32, #tpu.memory_space<hbm>>
    tpu.enqueue_dma source(%dma_start3A_90 : memref<200xi32, #tpu.memory_space<hbm>>) target(%arg10 : memref<200xi32, #tpu.memory_space<vmem>>) target_semaphore(%arg26 : memref<!tpu.dma_semaphore, #tpu.memory_space<semaphore_mem>>)
    %scan3A = arith.constant 0 : i32
    %scan3A_91 = arith.constant 0 : i32
    %scan3A_92 = arith.constant 32 : i32
    %scan3A_93 = arith.addi %scan3A_91, %scan3A_92 : i32
    %scan3A_94 = arith.constant 1 : i32
    scf.for %scan3A_96 = %scan3A_91 to %scan3A_93 step %scan3A_94  : i32 {
      %mul3A_97 = arith.constant 4 : i32
      %mul3A_98 = arith.muli %scan3A_96, %mul3A_97 : i32
      %add3A_99 = arith.constant 0 : i32
      %add3A_100 = arith.addi %mul3A_98, %add3A_99 : i32
      %add3A_101 = arith.constant 4 : i32
      %add3A_102 = arith.addi %add3A_100, %add3A_101 : i32
      %sub3A = arith.constant 1 : i32
      %sub3A_103 = arith.subi %add3A_102, %sub3A : i32
      %lt3A = arith.constant 128 : i32
      %lt3A_104 = arith.cmpi slt, %sub3A_103, %lt3A : i32
      %convert_element_type3A = arith.extui %lt3A_104 : i1 to i32
      %cond3A = arith.constant 0 : i32
      %cond3A_105 = arith.cmpi ne, %convert_element_type3A, %cond3A : i32
      scf.if %cond3A_105 {
        %add3A_395 = arith.constant 4 : i32
        %add3A_396 = arith.addi %add3A_100, %add3A_395 : i32
        %sub3A_397 = arith.constant 1 : i32
        %sub3A_398 = arith.subi %add3A_396, %sub3A_397 : i32
        %mul3A_399 = arith.constant 4 : i32
        %mul3A_400 = arith.muli %sub3A_398, %mul3A_399 : i32
        %add3A_401 = arith.addi %mul3A_2, %mul3A_400 : i32
        %mul3A_402 = arith.constant 50 : i32
        %mul3A_403 = arith.muli %add3A_401, %mul3A_402 : i32
        %dma_wait3A_404 = tpu.memref_slice %arg2[%mul3A_403] : memref<819200xi32, #tpu.memory_space<hbm>> -> memref<200xi32, #tpu.memory_space<hbm>>
        %dma_wait3A_405 = tpu.memref_slice %arg2[%mul3A_403] : memref<819200xi32, #tpu.memory_space<hbm>> -> memref<200xi32, #tpu.memory_space<hbm>>
        tpu.wait_dma2 semaphore(%arg26 : memref<!tpu.dma_semaphore, #tpu.memory_space<semaphore_mem>>) src(%dma_wait3A_405 : memref<200xi32, #tpu.memory_space<hbm>>) dst(%arg10 : memref<200xi32, #tpu.memory_space<vmem>>)
        %add3A_406 = arith.constant 4 : i32
        %add3A_407 = arith.addi %add3A_100, %add3A_406 : i32
        %sub3A_408 = arith.constant 1 : i32
        %sub3A_409 = arith.subi %add3A_407, %sub3A_408 : i32
        %dma_start3A_410 = arith.constant 0 : i32
        %dma_start3A_411 = arith.constant 0 : i32
        %dma_start3A_412 = tpu.memref_slice %arg14[%dma_start3A_410, %dma_start3A_411] : memref<200x128xf32, #tpu.memory_space<vmem>> -> memref<128x128xf32, #tpu.memory_space<vmem>>
        %dma_start3A_413 = arith.constant 0 : i32
        %dma_start3A_414 = tpu.memref_slice %arg10[%dma_start3A_413] : memref<200xi32, #tpu.memory_space<vmem>> -> memref<128xi32, #tpu.memory_space<vmem>>
        %dma_start3A_415 = arith.constant 0 : i32
        %dma_start3A_416 = arith.constant 0 : i32
        %dma_start3A_417 = tpu.memref_slice %arg5[%dma_start3A_415, %dma_start3A_416] : memref<1000000x128xf32, #tpu.memory_space<hbm>> -> memref<1000000x128xf32, #tpu.memory_space<hbm>>
        tpu.enqueue_indirect_dma source(%dma_start3A_417 : memref<1000000x128xf32, #tpu.memory_space<hbm>>) target(%dma_start3A_412 : memref<128x128xf32, #tpu.memory_space<vmem>>) offsets(%dma_start3A_414 : memref<128xi32, #tpu.memory_space<vmem>>) semaphore(%arg22 : memref<!tpu.dma_semaphore, #tpu.memory_space<semaphore_mem>>)
        %dma_start3A_418 = arith.constant 128 : i32
        %dma_start3A_419 = arith.constant 0 : i32
        %dma_start3A_420 = tpu.memref_slice %arg14[%dma_start3A_418, %dma_start3A_419] : memref<200x128xf32, #tpu.memory_space<vmem>> -> memref<72x128xf32, #tpu.memory_space<vmem>>
        %dma_start3A_421 = arith.constant 128 : i32
        %dma_start3A_422 = tpu.memref_slice %arg10[%dma_start3A_421] : memref<200xi32, #tpu.memory_space<vmem>> -> memref<72xi32, #tpu.memory_space<vmem>>
        %dma_start3A_423 = arith.constant 0 : i32
        %dma_start3A_424 = arith.constant 0 : i32
        %dma_start3A_425 = tpu.memref_slice %arg5[%dma_start3A_423, %dma_start3A_424] : memref<1000000x128xf32, #tpu.memory_space<hbm>> -> memref<1000000x128xf32, #tpu.memory_space<hbm>>
        tpu.enqueue_indirect_dma source(%dma_start3A_425 : memref<1000000x128xf32, #tpu.memory_space<hbm>>) target(%dma_start3A_420 : memref<72x128xf32, #tpu.memory_space<vmem>>) offsets(%dma_start3A_422 : memref<72xi32, #tpu.memory_space<vmem>>) semaphore(%arg22 : memref<!tpu.dma_semaphore, #tpu.memory_space<semaphore_mem>>)
      } else {
      }
      %dma_wait3A_106 = arith.constant 0 : i32
      %dma_wait3A_107 = arith.constant 0 : i32
      %dma_wait3A_108 = tpu.memref_slice %arg11[%dma_wait3A_106, %dma_wait3A_107] : memref<200x128xf32, #tpu.memory_space<vmem>> -> memref<128x128xf32, #tpu.memory_space<vmem>>
      %dma_wait3A_109 = arith.constant 0 : i32
      %dma_wait3A_110 = tpu.memref_slice %arg7[%dma_wait3A_109] : memref<200xi32, #tpu.memory_space<vmem>> -> memref<128xi32, #tpu.memory_space<vmem>>
      %dma_wait3A_111 = arith.constant 0 : i32
      %dma_wait3A_112 = arith.constant 0 : i32
      %dma_wait3A_113 = tpu.memref_slice %arg5[%dma_wait3A_111, %dma_wait3A_112] : memref<1000000x128xf32, #tpu.memory_space<hbm>> -> memref<1000000x128xf32, #tpu.memory_space<hbm>>
      tpu.wait_indirect_dma semaphore(%arg19 : memref<!tpu.dma_semaphore, #tpu.memory_space<semaphore_mem>>) src(%dma_wait3A_113 : memref<1000000x128xf32, #tpu.memory_space<hbm>>) dst(%dma_wait3A_108 : memref<128x128xf32, #tpu.memory_space<vmem>>)
      %dma_wait3A_114 = arith.constant 128 : i32
      %dma_wait3A_115 = arith.constant 0 : i32
      %dma_wait3A_116 = tpu.memref_slice %arg11[%dma_wait3A_114, %dma_wait3A_115] : memref<200x128xf32, #tpu.memory_space<vmem>> -> memref<72x128xf32, #tpu.memory_space<vmem>>
      %dma_wait3A_117 = arith.constant 128 : i32
      %dma_wait3A_118 = tpu.memref_slice %arg7[%dma_wait3A_117] : memref<200xi32, #tpu.memory_space<vmem>> -> memref<72xi32, #tpu.memory_space<vmem>>
      %dma_wait3A_119 = arith.constant 0 : i32
      %dma_wait3A_120 = arith.constant 0 : i32
      %dma_wait3A_121 = tpu.memref_slice %arg5[%dma_wait3A_119, %dma_wait3A_120] : memref<1000000x128xf32, #tpu.memory_space<hbm>> -> memref<1000000x128xf32, #tpu.memory_space<hbm>>
      tpu.wait_indirect_dma semaphore(%arg19 : memref<!tpu.dma_semaphore, #tpu.memory_space<semaphore_mem>>) src(%dma_wait3A_121 : memref<1000000x128xf32, #tpu.memory_space<hbm>>) dst(%dma_wait3A_116 : memref<72x128xf32, #tpu.memory_space<vmem>>)
      %add3A_122 = arith.constant 4 : i32
      %add3A_123 = arith.addi %add3A_100, %add3A_122 : i32
      %lt3A_124 = arith.constant 128 : i32
      %lt3A_125 = arith.cmpi slt, %add3A_123, %lt3A_124 : i32
      %convert_element_type3A_126 = arith.extui %lt3A_125 : i1 to i32
      %cond3A_127 = arith.constant 0 : i32
      %cond3A_128 = arith.cmpi ne, %convert_element_type3A_126, %cond3A_127 : i32
      scf.if %cond3A_128 {
        %add3A_395 = arith.constant 4 : i32
        %add3A_396 = arith.addi %add3A_100, %add3A_395 : i32
        %mul3A_397 = arith.constant 4 : i32
        %mul3A_398 = arith.muli %add3A_396, %mul3A_397 : i32
        %add3A_399 = arith.addi %mul3A_2, %mul3A_398 : i32
        %mul3A_400 = arith.constant 50 : i32
        %mul3A_401 = arith.muli %add3A_399, %mul3A_400 : i32
        %dma_start3A_402 = tpu.memref_slice %arg2[%mul3A_401] : memref<819200xi32, #tpu.memory_space<hbm>> -> memref<200xi32, #tpu.memory_space<hbm>>
        %dma_start3A_403 = tpu.memref_slice %arg2[%mul3A_401] : memref<819200xi32, #tpu.memory_space<hbm>> -> memref<200xi32, #tpu.memory_space<hbm>>
        tpu.enqueue_dma source(%dma_start3A_403 : memref<200xi32, #tpu.memory_space<hbm>>) target(%arg7 : memref<200xi32, #tpu.memory_space<vmem>>) target_semaphore(%arg23 : memref<!tpu.dma_semaphore, #tpu.memory_space<semaphore_mem>>)
      } else {
      }
      %broadcast_in_dim3A = arith.constant 0.000000e+00 : f32
      %broadcast_in_dim3A_129 = vector.broadcast %broadcast_in_dim3A : f32 to vector<16xf32>
      %scan3A_130 = arith.constant 0 : i32
      %scan3A_131 = arith.constant 50 : i32
      %scan3A_132 = arith.addi %scan3A_130, %scan3A_131 : i32
      %scan3A_133 = arith.constant 1 : i32
      %scan3A_134:4 = scf.for %scan3A_395 = %scan3A_130 to %scan3A_132 step %scan3A_133 iter_args(%scan3A_396 = %broadcast_in_dim3A_129, %scan3A_397 = %broadcast_in_dim3A_129, %scan3A_398 = %broadcast_in_dim3A_129, %scan3A_399 = %broadcast_in_dim3A_129) -> (vector<16xf32>, vector<16xf32>, vector<16xf32>, vector<16xf32>)  : i32 {
        %mul3A_400 = arith.constant 128 : i32
        %mul3A_401 = arith.muli %scan3A_395, %mul3A_400 : i32
        %add3A_402 = arith.constant 0 : i32
        %add3A_403 = arith.addi %mul3A_401, %add3A_402 : i32
        %get3A_404 = arith.index_cast %add3A_403 : i32 to index
        %get3A_405 = tpu.vector_load %arg15[%get3A_404] {strides = array<i32>} : memref<6400xf32, #tpu.memory_space<vmem>>, vector<16xf32>,
        %add3A_406 = arith.constant 0 : i32
        %add3A_407 = arith.addi %add3A_406, %scan3A_395 : i32
        %get3A_408 = arith.index_cast %add3A_407 : i32 to index
        %get3A_409 = arith.constant 0 : index
        %get3A_410 = tpu.vector_load %arg11[%get3A_408, %get3A_409] {strides = array<i32>} : memref<200x128xf32, #tpu.memory_space<vmem>>, vector<16xf32>,
        %mul3A_411 = arith.mulf %get3A_410, %get3A_405 : vector<16xf32>
        %add3A_412 = arith.addf %scan3A_396, %mul3A_411 : vector<16xf32>
        %add3A_413 = arith.constant 50 : i32
        %add3A_414 = arith.addi %add3A_413, %scan3A_395 : i32
        %get3A_415 = arith.index_cast %add3A_414 : i32 to index
        %get3A_416 = arith.constant 0 : index
        %get3A_417 = tpu.vector_load %arg11[%get3A_415, %get3A_416] {strides = array<i32>} : memref<200x128xf32, #tpu.memory_space<vmem>>, vector<16xf32>,
        %mul3A_418 = arith.mulf %get3A_417, %get3A_405 : vector<16xf32>
        %add3A_419 = arith.addf %scan3A_397, %mul3A_418 : vector<16xf32>
        %add3A_420 = arith.constant 100 : i32
        %add3A_421 = arith.addi %add3A_420, %scan3A_395 : i32
        %get3A_422 = arith.index_cast %add3A_421 : i32 to index
        %get3A_423 = arith.constant 0 : index
        %get3A_424 = tpu.vector_load %arg11[%get3A_422, %get3A_423] {strides = array<i32>} : memref<200x128xf32, #tpu.memory_space<vmem>>, vector<16xf32>,
        %mul3A_425 = arith.mulf %get3A_424, %get3A_405 : vector<16xf32>
        %add3A_426 = arith.addf %scan3A_398, %mul3A_425 : vector<16xf32>
        %add3A_427 = arith.constant 150 : i32
        %add3A_428 = arith.addi %add3A_427, %scan3A_395 : i32
        %get3A_429 = arith.index_cast %add3A_428 : i32 to index
        %get3A_430 = arith.constant 0 : index
        %get3A_431 = tpu.vector_load %arg11[%get3A_429, %get3A_430] {strides = array<i32>} : memref<200x128xf32, #tpu.memory_space<vmem>>, vector<16xf32>,
        %mul3A_432 = arith.mulf %get3A_431, %get3A_405 : vector<16xf32>
        %add3A_433 = arith.addf %scan3A_399, %mul3A_432 : vector<16xf32>
        %mul3A_434 = arith.constant 128 : i32
        %mul3A_435 = arith.muli %scan3A_395, %mul3A_434 : i32
        %add3A_436 = arith.constant 16 : i32
        %add3A_437 = arith.addi %mul3A_435, %add3A_436 : i32
        %get3A_438 = arith.index_cast %add3A_437 : i32 to index
        %get3A_439 = tpu.vector_load %arg15[%get3A_438] {strides = array<i32>} : memref<6400xf32, #tpu.memory_space<vmem>>, vector<16xf32>,
        %add3A_440 = arith.constant 0 : i32
        %add3A_441 = arith.addi %add3A_440, %scan3A_395 : i32
        %get3A_442 = arith.index_cast %add3A_441 : i32 to index
        %get3A_443 = arith.constant 16 : index
        %get3A_444 = tpu.vector_load %arg11[%get3A_442, %get3A_443] {strides = array<i32>} : memref<200x128xf32, #tpu.memory_space<vmem>>, vector<16xf32>,
        %mul3A_445 = arith.mulf %get3A_444, %get3A_439 : vector<16xf32>
        %add3A_446 = arith.addf %add3A_412, %mul3A_445 : vector<16xf32>
        %add3A_447 = arith.constant 50 : i32
        %add3A_448 = arith.addi %add3A_447, %scan3A_395 : i32
        %get3A_449 = arith.index_cast %add3A_448 : i32 to index
        %get3A_450 = arith.constant 16 : index
        %get3A_451 = tpu.vector_load %arg11[%get3A_449, %get3A_450] {strides = array<i32>} : memref<200x128xf32, #tpu.memory_space<vmem>>, vector<16xf32>,
        %mul3A_452 = arith.mulf %get3A_451, %get3A_439 : vector<16xf32>
        %add3A_453 = arith.addf %add3A_419, %mul3A_452 : vector<16xf32>
        %add3A_454 = arith.constant 100 : i32
        %add3A_455 = arith.addi %add3A_454, %scan3A_395 : i32
        %get3A_456 = arith.index_cast %add3A_455 : i32 to index
        %get3A_457 = arith.constant 16 : index
        %get3A_458 = tpu.vector_load %arg11[%get3A_456, %get3A_457] {strides = array<i32>} : memref<200x128xf32, #tpu.memory_space<vmem>>, vector<16xf32>,
        %mul3A_459 = arith.mulf %get3A_458, %get3A_439 : vector<16xf32>
        %add3A_460 = arith.addf %add3A_426, %mul3A_459 : vector<16xf32>
        %add3A_461 = arith.constant 150 : i32
        %add3A_462 = arith.addi %add3A_461, %scan3A_395 : i32
        %get3A_463 = arith.index_cast %add3A_462 : i32 to index
        %get3A_464 = arith.constant 16 : index
        %get3A_465 = tpu.vector_load %arg11[%get3A_463, %get3A_464] {strides = array<i32>} : memref<200x128xf32, #tpu.memory_space<vmem>>, vector<16xf32>,
        %mul3A_466 = arith.mulf %get3A_465, %get3A_439 : vector<16xf32>
        %add3A_467 = arith.addf %add3A_433, %mul3A_466 : vector<16xf32>
        %mul3A_468 = arith.constant 128 : i32
        %mul3A_469 = arith.muli %scan3A_395, %mul3A_468 : i32
        %add3A_470 = arith.constant 32 : i32
        %add3A_471 = arith.addi %mul3A_469, %add3A_470 : i32
        %get3A_472 = arith.index_cast %add3A_471 : i32 to index
        %get3A_473 = tpu.vector_load %arg15[%get3A_472] {strides = array<i32>} : memref<6400xf32, #tpu.memory_space<vmem>>, vector<16xf32>,
        %add3A_474 = arith.constant 0 : i32
        %add3A_475 = arith.addi %add3A_474, %scan3A_395 : i32
        %get3A_476 = arith.index_cast %add3A_475 : i32 to index
        %get3A_477 = arith.constant 32 : index
        %get3A_478 = tpu.vector_load %arg11[%get3A_476, %get3A_477] {strides = array<i32>} : memref<200x128xf32, #tpu.memory_space<vmem>>, vector<16xf32>,
        %mul3A_479 = arith.mulf %get3A_478, %get3A_473 : vector<16xf32>
        %add3A_480 = arith.addf %add3A_446, %mul3A_479 : vector<16xf32>
        %add3A_481 = arith.constant 50 : i32
        %add3A_482 = arith.addi %add3A_481, %scan3A_395 : i32
        %get3A_483 = arith.index_cast %add3A_482 : i32 to index
        %get3A_484 = arith.constant 32 : index
        %get3A_485 = tpu.vector_load %arg11[%get3A_483, %get3A_484] {strides = array<i32>} : memref<200x128xf32, #tpu.memory_space<vmem>>, vector<16xf32>,
        %mul3A_486 = arith.mulf %get3A_485, %get3A_473 : vector<16xf32>
        %add3A_487 = arith.addf %add3A_453, %mul3A_486 : vector<16xf32>
        %add3A_488 = arith.constant 100 : i32
        %add3A_489 = arith.addi %add3A_488, %scan3A_395 : i32
        %get3A_490 = arith.index_cast %add3A_489 : i32 to index
        %get3A_491 = arith.constant 32 : index
        %get3A_492 = tpu.vector_load %arg11[%get3A_490, %get3A_491] {strides = array<i32>} : memref<200x128xf32, #tpu.memory_space<vmem>>, vector<16xf32>,
        %mul3A_493 = arith.mulf %get3A_492, %get3A_473 : vector<16xf32>
        %add3A_494 = arith.addf %add3A_460, %mul3A_493 : vector<16xf32>
        %add3A_495 = arith.constant 150 : i32
        %add3A_496 = arith.addi %add3A_495, %scan3A_395 : i32
        %get3A_497 = arith.index_cast %add3A_496 : i32 to index
        %get3A_498 = arith.constant 32 : index
        %get3A_499 = tpu.vector_load %arg11[%get3A_497, %get3A_498] {strides = array<i32>} : memref<200x128xf32, #tpu.memory_space<vmem>>, vector<16xf32>,
        %mul3A_500 = arith.mulf %get3A_499, %get3A_473 : vector<16xf32>
        %add3A_501 = arith.addf %add3A_467, %mul3A_500 : vector<16xf32>
        %mul3A_502 = arith.constant 128 : i32
        %mul3A_503 = arith.muli %scan3A_395, %mul3A_502 : i32
        %add3A_504 = arith.constant 48 : i32
        %add3A_505 = arith.addi %mul3A_503, %add3A_504 : i32
        %get3A_506 = arith.index_cast %add3A_505 : i32 to index
        %get3A_507 = tpu.vector_load %arg15[%get3A_506] {strides = array<i32>} : memref<6400xf32, #tpu.memory_space<vmem>>, vector<16xf32>,
        %add3A_508 = arith.constant 0 : i32
        %add3A_509 = arith.addi %add3A_508, %scan3A_395 : i32
        %get3A_510 = arith.index_cast %add3A_509 : i32 to index
        %get3A_511 = arith.constant 48 : index
        %get3A_512 = tpu.vector_load %arg11[%get3A_510, %get3A_511] {strides = array<i32>} : memref<200x128xf32, #tpu.memory_space<vmem>>, vector<16xf32>,
        %mul3A_513 = arith.mulf %get3A_512, %get3A_507 : vector<16xf32>
        %add3A_514 = arith.addf %add3A_480, %mul3A_513 : vector<16xf32>
        %add3A_515 = arith.constant 50 : i32
        %add3A_516 = arith.addi %add3A_515, %scan3A_395 : i32
        %get3A_517 = arith.index_cast %add3A_516 : i32 to index
        %get3A_518 = arith.constant 48 : index
        %get3A_519 = tpu.vector_load %arg11[%get3A_517, %get3A_518] {strides = array<i32>} : memref<200x128xf32, #tpu.memory_space<vmem>>, vector<16xf32>,
        %mul3A_520 = arith.mulf %get3A_519, %get3A_507 : vector<16xf32>
        %add3A_521 = arith.addf %add3A_487, %mul3A_520 : vector<16xf32>
        %add3A_522 = arith.constant 100 : i32
        %add3A_523 = arith.addi %add3A_522, %scan3A_395 : i32
        %get3A_524 = arith.index_cast %add3A_523 : i32 to index
        %get3A_525 = arith.constant 48 : index
        %get3A_526 = tpu.vector_load %arg11[%get3A_524, %get3A_525] {strides = array<i32>} : memref<200x128xf32, #tpu.memory_space<vmem>>, vector<16xf32>,
        %mul3A_527 = arith.mulf %get3A_526, %get3A_507 : vector<16xf32>
        %add3A_528 = arith.addf %add3A_494, %mul3A_527 : vector<16xf32>
        %add3A_529 = arith.constant 150 : i32
        %add3A_530 = arith.addi %add3A_529, %scan3A_395 : i32
        %get3A_531 = arith.index_cast %add3A_530 : i32 to index
        %get3A_532 = arith.constant 48 : index
        %get3A_533 = tpu.vector_load %arg11[%get3A_531, %get3A_532] {strides = array<i32>} : memref<200x128xf32, #tpu.memory_space<vmem>>, vector<16xf32>,
        %mul3A_534 = arith.mulf %get3A_533, %get3A_507 : vector<16xf32>
        %add3A_535 = arith.addf %add3A_501, %mul3A_534 : vector<16xf32>
        %mul3A_536 = arith.constant 128 : i32
        %mul3A_537 = arith.muli %scan3A_395, %mul3A_536 : i32
        %add3A_538 = arith.constant 64 : i32
        %add3A_539 = arith.addi %mul3A_537, %add3A_538 : i32
        %get3A_540 = arith.index_cast %add3A_539 : i32 to index
        %get3A_541 = tpu.vector_load %arg15[%get3A_540] {strides = array<i32>} : memref<6400xf32, #tpu.memory_space<vmem>>, vector<16xf32>,
        %add3A_542 = arith.constant 0 : i32
        %add3A_543 = arith.addi %add3A_542, %scan3A_395 : i32
        %get3A_544 = arith.index_cast %add3A_543 : i32 to index
        %get3A_545 = arith.constant 64 : index
        %get3A_546 = tpu.vector_load %arg11[%get3A_544, %get3A_545] {strides = array<i32>} : memref<200x128xf32, #tpu.memory_space<vmem>>, vector<16xf32>,
        %mul3A_547 = arith.mulf %get3A_546, %get3A_541 : vector<16xf32>
        %add3A_548 = arith.addf %add3A_514, %mul3A_547 : vector<16xf32>
        %add3A_549 = arith.constant 50 : i32
        %add3A_550 = arith.addi %add3A_549, %scan3A_395 : i32
        %get3A_551 = arith.index_cast %add3A_550 : i32 to index
        %get3A_552 = arith.constant 64 : index
        %get3A_553 = tpu.vector_load %arg11[%get3A_551, %get3A_552] {strides = array<i32>} : memref<200x128xf32, #tpu.memory_space<vmem>>, vector<16xf32>,
        %mul3A_554 = arith.mulf %get3A_553, %get3A_541 : vector<16xf32>
        %add3A_555 = arith.addf %add3A_521, %mul3A_554 : vector<16xf32>
        %add3A_556 = arith.constant 100 : i32
        %add3A_557 = arith.addi %add3A_556, %scan3A_395 : i32
        %get3A_558 = arith.index_cast %add3A_557 : i32 to index
        %get3A_559 = arith.constant 64 : index
        %get3A_560 = tpu.vector_load %arg11[%get3A_558, %get3A_559] {strides = array<i32>} : memref<200x128xf32, #tpu.memory_space<vmem>>, vector<16xf32>,
        %mul3A_561 = arith.mulf %get3A_560, %get3A_541 : vector<16xf32>
        %add3A_562 = arith.addf %add3A_528, %mul3A_561 : vector<16xf32>
        %add3A_563 = arith.constant 150 : i32
        %add3A_564 = arith.addi %add3A_563, %scan3A_395 : i32
        %get3A_565 = arith.index_cast %add3A_564 : i32 to index
        %get3A_566 = arith.constant 64 : index
        %get3A_567 = tpu.vector_load %arg11[%get3A_565, %get3A_566] {strides = array<i32>} : memref<200x128xf32, #tpu.memory_space<vmem>>, vector<16xf32>,
        %mul3A_568 = arith.mulf %get3A_567, %get3A_541 : vector<16xf32>
        %add3A_569 = arith.addf %add3A_535, %mul3A_568 : vector<16xf32>
        %mul3A_570 = arith.constant 128 : i32
        %mul3A_571 = arith.muli %scan3A_395, %mul3A_570 : i32
        %add3A_572 = arith.constant 80 : i32
        %add3A_573 = arith.addi %mul3A_571, %add3A_572 : i32
        %get3A_574 = arith.index_cast %add3A_573 : i32 to index
        %get3A_575 = tpu.vector_load %arg15[%get3A_574] {strides = array<i32>} : memref<6400xf32, #tpu.memory_space<vmem>>, vector<16xf32>,
        %add3A_576 = arith.constant 0 : i32
        %add3A_577 = arith.addi %add3A_576, %scan3A_395 : i32
        %get3A_578 = arith.index_cast %add3A_577 : i32 to index
        %get3A_579 = arith.constant 80 : index
        %get3A_580 = tpu.vector_load %arg11[%get3A_578, %get3A_579] {strides = array<i32>} : memref<200x128xf32, #tpu.memory_space<vmem>>, vector<16xf32>,
        %mul3A_581 = arith.mulf %get3A_580, %get3A_575 : vector<16xf32>
        %add3A_582 = arith.addf %add3A_548, %mul3A_581 : vector<16xf32>
        %add3A_583 = arith.constant 50 : i32
        %add3A_584 = arith.addi %add3A_583, %scan3A_395 : i32
        %get3A_585 = arith.index_cast %add3A_584 : i32 to index
        %get3A_586 = arith.constant 80 : index
        %get3A_587 = tpu.vector_load %arg11[%get3A_585, %get3A_586] {strides = array<i32>} : memref<200x128xf32, #tpu.memory_space<vmem>>, vector<16xf32>,
        %mul3A_588 = arith.mulf %get3A_587, %get3A_575 : vector<16xf32>
        %add3A_589 = arith.addf %add3A_555, %mul3A_588 : vector<16xf32>
        %add3A_590 = arith.constant 100 : i32
        %add3A_591 = arith.addi %add3A_590, %scan3A_395 : i32
        %get3A_592 = arith.index_cast %add3A_591 : i32 to index
        %get3A_593 = arith.constant 80 : index
        %get3A_594 = tpu.vector_load %arg11[%get3A_592, %get3A_593] {strides = array<i32>} : memref<200x128xf32, #tpu.memory_space<vmem>>, vector<16xf32>,
        %mul3A_595 = arith.mulf %get3A_594, %get3A_575 : vector<16xf32>
        %add3A_596 = arith.addf %add3A_562, %mul3A_595 : vector<16xf32>
        %add3A_597 = arith.constant 150 : i32
        %add3A_598 = arith.addi %add3A_597, %scan3A_395 : i32
        %get3A_599 = arith.index_cast %add3A_598 : i32 to index
        %get3A_600 = arith.constant 80 : index
        %get3A_601 = tpu.vector_load %arg11[%get3A_599, %get3A_600] {strides = array<i32>} : memref<200x128xf32, #tpu.memory_space<vmem>>, vector<16xf32>,
        %mul3A_602 = arith.mulf %get3A_601, %get3A_575 : vector<16xf32>
        %add3A_603 = arith.addf %add3A_569, %mul3A_602 : vector<16xf32>
        %mul3A_604 = arith.constant 128 : i32
        %mul3A_605 = arith.muli %scan3A_395, %mul3A_604 : i32
        %add3A_606 = arith.constant 96 : i32
        %add3A_607 = arith.addi %mul3A_605, %add3A_606 : i32
        %get3A_608 = arith.index_cast %add3A_607 : i32 to index
        %get3A_609 = tpu.vector_load %arg15[%get3A_608] {strides = array<i32>} : memref<6400xf32, #tpu.memory_space<vmem>>, vector<16xf32>,
        %add3A_610 = arith.constant 0 : i32
        %add3A_611 = arith.addi %add3A_610, %scan3A_395 : i32
        %get3A_612 = arith.index_cast %add3A_611 : i32 to index
        %get3A_613 = arith.constant 96 : index
        %get3A_614 = tpu.vector_load %arg11[%get3A_612, %get3A_613] {strides = array<i32>} : memref<200x128xf32, #tpu.memory_space<vmem>>, vector<16xf32>,
        %mul3A_615 = arith.mulf %get3A_614, %get3A_609 : vector<16xf32>
        %add3A_616 = arith.addf %add3A_582, %mul3A_615 : vector<16xf32>
        %add3A_617 = arith.constant 50 : i32
        %add3A_618 = arith.addi %add3A_617, %scan3A_395 : i32
        %get3A_619 = arith.index_cast %add3A_618 : i32 to index
        %get3A_620 = arith.constant 96 : index
        %get3A_621 = tpu.vector_load %arg11[%get3A_619, %get3A_620] {strides = array<i32>} : memref<200x128xf32, #tpu.memory_space<vmem>>, vector<16xf32>,
        %mul3A_622 = arith.mulf %get3A_621, %get3A_609 : vector<16xf32>
        %add3A_623 = arith.addf %add3A_589, %mul3A_622 : vector<16xf32>
        %add3A_624 = arith.constant 100 : i32
        %add3A_625 = arith.addi %add3A_624, %scan3A_395 : i32
        %get3A_626 = arith.index_cast %add3A_625 : i32 to index
        %get3A_627 = arith.constant 96 : index
        %get3A_628 = tpu.vector_load %arg11[%get3A_626, %get3A_627] {strides = array<i32>} : memref<200x128xf32, #tpu.memory_space<vmem>>, vector<16xf32>,
        %mul3A_629 = arith.mulf %get3A_628, %get3A_609 : vector<16xf32>
        %add3A_630 = arith.addf %add3A_596, %mul3A_629 : vector<16xf32>
        %add3A_631 = arith.constant 150 : i32
        %add3A_632 = arith.addi %add3A_631, %scan3A_395 : i32
        %get3A_633 = arith.index_cast %add3A_632 : i32 to index
        %get3A_634 = arith.constant 96 : index
        %get3A_635 = tpu.vector_load %arg11[%get3A_633, %get3A_634] {strides = array<i32>} : memref<200x128xf32, #tpu.memory_space<vmem>>, vector<16xf32>,
        %mul3A_636 = arith.mulf %get3A_635, %get3A_609 : vector<16xf32>
        %add3A_637 = arith.addf %add3A_603, %mul3A_636 : vector<16xf32>
        %mul3A_638 = arith.constant 128 : i32
        %mul3A_639 = arith.muli %scan3A_395, %mul3A_638 : i32
        %add3A_640 = arith.constant 112 : i32
        %add3A_641 = arith.addi %mul3A_639, %add3A_640 : i32
        %get3A_642 = arith.index_cast %add3A_641 : i32 to index
        %get3A_643 = tpu.vector_load %arg15[%get3A_642] {strides = array<i32>} : memref<6400xf32, #tpu.memory_space<vmem>>, vector<16xf32>,
        %add3A_644 = arith.constant 0 : i32
        %add3A_645 = arith.addi %add3A_644, %scan3A_395 : i32
        %get3A_646 = arith.index_cast %add3A_645 : i32 to index
        %get3A_647 = arith.constant 112 : index
        %get3A_648 = tpu.vector_load %arg11[%get3A_646, %get3A_647] {strides = array<i32>} : memref<200x128xf32, #tpu.memory_space<vmem>>, vector<16xf32>,
        %mul3A_649 = arith.mulf %get3A_648, %get3A_643 : vector<16xf32>
        %add3A_650 = arith.addf %add3A_616, %mul3A_649 : vector<16xf32>
        %add3A_651 = arith.constant 50 : i32
        %add3A_652 = arith.addi %add3A_651, %scan3A_395 : i32
        %get3A_653 = arith.index_cast %add3A_652 : i32 to index
        %get3A_654 = arith.constant 112 : index
        %get3A_655 = tpu.vector_load %arg11[%get3A_653, %get3A_654] {strides = array<i32>} : memref<200x128xf32, #tpu.memory_space<vmem>>, vector<16xf32>,
        %mul3A_656 = arith.mulf %get3A_655, %get3A_643 : vector<16xf32>
        %add3A_657 = arith.addf %add3A_623, %mul3A_656 : vector<16xf32>
        %add3A_658 = arith.constant 100 : i32
        %add3A_659 = arith.addi %add3A_658, %scan3A_395 : i32
        %get3A_660 = arith.index_cast %add3A_659 : i32 to index
        %get3A_661 = arith.constant 112 : index
        %get3A_662 = tpu.vector_load %arg11[%get3A_660, %get3A_661] {strides = array<i32>} : memref<200x128xf32, #tpu.memory_space<vmem>>, vector<16xf32>,
        %mul3A_663 = arith.mulf %get3A_662, %get3A_643 : vector<16xf32>
        %add3A_664 = arith.addf %add3A_630, %mul3A_663 : vector<16xf32>
        %add3A_665 = arith.constant 150 : i32
        %add3A_666 = arith.addi %add3A_665, %scan3A_395 : i32
        %get3A_667 = arith.index_cast %add3A_666 : i32 to index
        %get3A_668 = arith.constant 112 : index
        %get3A_669 = tpu.vector_load %arg11[%get3A_667, %get3A_668] {strides = array<i32>} : memref<200x128xf32, #tpu.memory_space<vmem>>, vector<16xf32>,
        %mul3A_670 = arith.mulf %get3A_669, %get3A_643 : vector<16xf32>
        %add3A_671 = arith.addf %add3A_637, %mul3A_670 : vector<16xf32>
        scf.yield %add3A_650, %add3A_657, %add3A_664, %add3A_671 : vector<16xf32>, vector<16xf32>, vector<16xf32>, vector<16xf32>
      }
      %scan3A_135 = arith.constant 50 : i32
      %swap3A = arith.constant 0 : i32
      %swap3A_136 = arith.index_cast %swap3A : i32 to index
      %swap3A_137 = arith.constant 0 : index
      %swap3A_138 = tpu.vector_load %arg18[%swap3A_136, %swap3A_137] {strides = array<i32>} : memref<16x16xf32, #tpu.memory_space<vmem>>, vector<16xf32>,
      tpu.vector_store %arg18[%swap3A_136, %swap3A_137], %scan3A_134#0 {strides = array<i32>} : memref<16x16xf32, #tpu.memory_space<vmem>>, vector<16xf32>,
      %swap3A_139 = arith.constant 1 : i32
      %swap3A_140 = arith.index_cast %swap3A_139 : i32 to index
      %swap3A_141 = arith.constant 0 : index
      %swap3A_142 = tpu.vector_load %arg18[%swap3A_140, %swap3A_141] {strides = array<i32>} : memref<16x16xf32, #tpu.memory_space<vmem>>, vector<16xf32>,
      tpu.vector_store %arg18[%swap3A_140, %swap3A_141], %scan3A_134#1 {strides = array<i32>} : memref<16x16xf32, #tpu.memory_space<vmem>>, vector<16xf32>,
      %swap3A_143 = arith.constant 2 : i32
      %swap3A_144 = arith.index_cast %swap3A_143 : i32 to index
      %swap3A_145 = arith.constant 0 : index
      %swap3A_146 = tpu.vector_load %arg18[%swap3A_144, %swap3A_145] {strides = array<i32>} : memref<16x16xf32, #tpu.memory_space<vmem>>, vector<16xf32>,
      tpu.vector_store %arg18[%swap3A_144, %swap3A_145], %scan3A_134#2 {strides = array<i32>} : memref<16x16xf32, #tpu.memory_space<vmem>>, vector<16xf32>,
      %swap3A_147 = arith.constant 3 : i32
      %swap3A_148 = arith.index_cast %swap3A_147 : i32 to index
      %swap3A_149 = arith.constant 0 : index
      %swap3A_150 = tpu.vector_load %arg18[%swap3A_148, %swap3A_149] {strides = array<i32>} : memref<16x16xf32, #tpu.memory_space<vmem>>, vector<16xf32>,
      tpu.vector_store %arg18[%swap3A_148, %swap3A_149], %scan3A_134#3 {strides = array<i32>} : memref<16x16xf32, #tpu.memory_space<vmem>>, vector<16xf32>,
      %add3A_151 = arith.constant 1 : i32
      %add3A_152 = arith.addi %mul3A_98, %add3A_151 : i32
      %add3A_153 = arith.constant 4 : i32
      %add3A_154 = arith.addi %add3A_152, %add3A_153 : i32
      %sub3A_155 = arith.constant 1 : i32
      %sub3A_156 = arith.subi %add3A_154, %sub3A_155 : i32
      %lt3A_157 = arith.constant 128 : i32
      %lt3A_158 = arith.cmpi slt, %sub3A_156, %lt3A_157 : i32
      %convert_element_type3A_159 = arith.extui %lt3A_158 : i1 to i32
      %cond3A_160 = arith.constant 0 : i32
      %cond3A_161 = arith.cmpi ne, %convert_element_type3A_159, %cond3A_160 : i32
      scf.if %cond3A_161 {
        %add3A_395 = arith.constant 4 : i32
        %add3A_396 = arith.addi %add3A_152, %add3A_395 : i32
        %sub3A_397 = arith.constant 1 : i32
        %sub3A_398 = arith.subi %add3A_396, %sub3A_397 : i32
        %mul3A_399 = arith.constant 4 : i32
        %mul3A_400 = arith.muli %sub3A_398, %mul3A_399 : i32
        %add3A_401 = arith.addi %mul3A_2, %mul3A_400 : i32
        %mul3A_402 = arith.constant 50 : i32
        %mul3A_403 = arith.muli %add3A_401, %mul3A_402 : i32
        %dma_wait3A_404 = tpu.memref_slice %arg2[%mul3A_403] : memref<819200xi32, #tpu.memory_space<hbm>> -> memref<200xi32, #tpu.memory_space<hbm>>
        %dma_wait3A_405 = tpu.memref_slice %arg2[%mul3A_403] : memref<819200xi32, #tpu.memory_space<hbm>> -> memref<200xi32, #tpu.memory_space<hbm>>
        tpu.wait_dma2 semaphore(%arg23 : memref<!tpu.dma_semaphore, #tpu.memory_space<semaphore_mem>>) src(%dma_wait3A_405 : memref<200xi32, #tpu.memory_space<hbm>>) dst(%arg7 : memref<200xi32, #tpu.memory_space<vmem>>)
        %add3A_406 = arith.constant 4 : i32
        %add3A_407 = arith.addi %add3A_152, %add3A_406 : i32
        %sub3A_408 = arith.constant 1 : i32
        %sub3A_409 = arith.subi %add3A_407, %sub3A_408 : i32
        %dma_start3A_410 = arith.constant 0 : i32
        %dma_start3A_411 = arith.constant 0 : i32
        %dma_start3A_412 = tpu.memref_slice %arg11[%dma_start3A_410, %dma_start3A_411] : memref<200x128xf32, #tpu.memory_space<vmem>> -> memref<128x128xf32, #tpu.memory_space<vmem>>
        %dma_start3A_413 = arith.constant 0 : i32
        %dma_start3A_414 = tpu.memref_slice %arg7[%dma_start3A_413] : memref<200xi32, #tpu.memory_space<vmem>> -> memref<128xi32, #tpu.memory_space<vmem>>
        %dma_start3A_415 = arith.constant 0 : i32
        %dma_start3A_416 = arith.constant 0 : i32
        %dma_start3A_417 = tpu.memref_slice %arg5[%dma_start3A_415, %dma_start3A_416] : memref<1000000x128xf32, #tpu.memory_space<hbm>> -> memref<1000000x128xf32, #tpu.memory_space<hbm>>
        tpu.enqueue_indirect_dma source(%dma_start3A_417 : memref<1000000x128xf32, #tpu.memory_space<hbm>>) target(%dma_start3A_412 : memref<128x128xf32, #tpu.memory_space<vmem>>) offsets(%dma_start3A_414 : memref<128xi32, #tpu.memory_space<vmem>>) semaphore(%arg19 : memref<!tpu.dma_semaphore, #tpu.memory_space<semaphore_mem>>)
        %dma_start3A_418 = arith.constant 128 : i32
        %dma_start3A_419 = arith.constant 0 : i32
        %dma_start3A_420 = tpu.memref_slice %arg11[%dma_start3A_418, %dma_start3A_419] : memref<200x128xf32, #tpu.memory_space<vmem>> -> memref<72x128xf32, #tpu.memory_space<vmem>>
        %dma_start3A_421 = arith.constant 128 : i32
        %dma_start3A_422 = tpu.memref_slice %arg7[%dma_start3A_421] : memref<200xi32, #tpu.memory_space<vmem>> -> memref<72xi32, #tpu.memory_space<vmem>>
        %dma_start3A_423 = arith.constant 0 : i32
        %dma_start3A_424 = arith.constant 0 : i32
        %dma_start3A_425 = tpu.memref_slice %arg5[%dma_start3A_423, %dma_start3A_424] : memref<1000000x128xf32, #tpu.memory_space<hbm>> -> memref<1000000x128xf32, #tpu.memory_space<hbm>>
        tpu.enqueue_indirect_dma source(%dma_start3A_425 : memref<1000000x128xf32, #tpu.memory_space<hbm>>) target(%dma_start3A_420 : memref<72x128xf32, #tpu.memory_space<vmem>>) offsets(%dma_start3A_422 : memref<72xi32, #tpu.memory_space<vmem>>) semaphore(%arg19 : memref<!tpu.dma_semaphore, #tpu.memory_space<semaphore_mem>>)
      } else {
      }
      %dma_wait3A_162 = arith.constant 0 : i32
      %dma_wait3A_163 = arith.constant 0 : i32
      %dma_wait3A_164 = tpu.memref_slice %arg12[%dma_wait3A_162, %dma_wait3A_163] : memref<200x128xf32, #tpu.memory_space<vmem>> -> memref<128x128xf32, #tpu.memory_space<vmem>>
      %dma_wait3A_165 = arith.constant 0 : i32
      %dma_wait3A_166 = tpu.memref_slice %arg8[%dma_wait3A_165] : memref<200xi32, #tpu.memory_space<vmem>> -> memref<128xi32, #tpu.memory_space<vmem>>
      %dma_wait3A_167 = arith.constant 0 : i32
      %dma_wait3A_168 = arith.constant 0 : i32
      %dma_wait3A_169 = tpu.memref_slice %arg5[%dma_wait3A_167, %dma_wait3A_168] : memref<1000000x128xf32, #tpu.memory_space<hbm>> -> memref<1000000x128xf32, #tpu.memory_space<hbm>>
      tpu.wait_indirect_dma semaphore(%arg20 : memref<!tpu.dma_semaphore, #tpu.memory_space<semaphore_mem>>) src(%dma_wait3A_169 : memref<1000000x128xf32, #tpu.memory_space<hbm>>) dst(%dma_wait3A_164 : memref<128x128xf32, #tpu.memory_space<vmem>>)
      %dma_wait3A_170 = arith.constant 128 : i32
      %dma_wait3A_171 = arith.constant 0 : i32
      %dma_wait3A_172 = tpu.memref_slice %arg12[%dma_wait3A_170, %dma_wait3A_171] : memref<200x128xf32, #tpu.memory_space<vmem>> -> memref<72x128xf32, #tpu.memory_space<vmem>>
      %dma_wait3A_173 = arith.constant 128 : i32
      %dma_wait3A_174 = tpu.memref_slice %arg8[%dma_wait3A_173] : memref<200xi32, #tpu.memory_space<vmem>> -> memref<72xi32, #tpu.memory_space<vmem>>
      %dma_wait3A_175 = arith.constant 0 : i32
      %dma_wait3A_176 = arith.constant 0 : i32
      %dma_wait3A_177 = tpu.memref_slice %arg5[%dma_wait3A_175, %dma_wait3A_176] : memref<1000000x128xf32, #tpu.memory_space<hbm>> -> memref<1000000x128xf32, #tpu.memory_space<hbm>>
      tpu.wait_indirect_dma semaphore(%arg20 : memref<!tpu.dma_semaphore, #tpu.memory_space<semaphore_mem>>) src(%dma_wait3A_177 : memref<1000000x128xf32, #tpu.memory_space<hbm>>) dst(%dma_wait3A_172 : memref<72x128xf32, #tpu.memory_space<vmem>>)
      %add3A_178 = arith.constant 4 : i32
      %add3A_179 = arith.addi %add3A_152, %add3A_178 : i32
      %lt3A_180 = arith.constant 128 : i32
      %lt3A_181 = arith.cmpi slt, %add3A_179, %lt3A_180 : i32
      %convert_element_type3A_182 = arith.extui %lt3A_181 : i1 to i32
      %cond3A_183 = arith.constant 0 : i32
      %cond3A_184 = arith.cmpi ne, %convert_element_type3A_182, %cond3A_183 : i32
      scf.if %cond3A_184 {
        %add3A_395 = arith.constant 4 : i32
        %add3A_396 = arith.addi %add3A_152, %add3A_395 : i32
        %mul3A_397 = arith.constant 4 : i32
        %mul3A_398 = arith.muli %add3A_396, %mul3A_397 : i32
        %add3A_399 = arith.addi %mul3A_2, %mul3A_398 : i32
        %mul3A_400 = arith.constant 50 : i32
        %mul3A_401 = arith.muli %add3A_399, %mul3A_400 : i32
        %dma_start3A_402 = tpu.memref_slice %arg2[%mul3A_401] : memref<819200xi32, #tpu.memory_space<hbm>> -> memref<200xi32, #tpu.memory_space<hbm>>
        %dma_start3A_403 = tpu.memref_slice %arg2[%mul3A_401] : memref<819200xi32, #tpu.memory_space<hbm>> -> memref<200xi32, #tpu.memory_space<hbm>>
        tpu.enqueue_dma source(%dma_start3A_403 : memref<200xi32, #tpu.memory_space<hbm>>) target(%arg8 : memref<200xi32, #tpu.memory_space<vmem>>) target_semaphore(%arg24 : memref<!tpu.dma_semaphore, #tpu.memory_space<semaphore_mem>>)
      } else {
      }
      %broadcast_in_dim3A_185 = arith.constant 0.000000e+00 : f32
      %broadcast_in_dim3A_186 = vector.broadcast %broadcast_in_dim3A_185 : f32 to vector<16xf32>
      %scan3A_187 = arith.constant 0 : i32
      %scan3A_188 = arith.constant 50 : i32
      %scan3A_189 = arith.addi %scan3A_187, %scan3A_188 : i32
      %scan3A_190 = arith.constant 1 : i32
      %scan3A_191:4 = scf.for %scan3A_395 = %scan3A_187 to %scan3A_189 step %scan3A_190 iter_args(%scan3A_396 = %broadcast_in_dim3A_186, %scan3A_397 = %broadcast_in_dim3A_186, %scan3A_398 = %broadcast_in_dim3A_186, %scan3A_399 = %broadcast_in_dim3A_186) -> (vector<16xf32>, vector<16xf32>, vector<16xf32>, vector<16xf32>)  : i32 {
        %mul3A_400 = arith.constant 128 : i32
        %mul3A_401 = arith.muli %scan3A_395, %mul3A_400 : i32
        %add3A_402 = arith.constant 0 : i32
        %add3A_403 = arith.addi %mul3A_401, %add3A_402 : i32
        %get3A_404 = arith.index_cast %add3A_403 : i32 to index
        %get3A_405 = tpu.vector_load %arg15[%get3A_404] {strides = array<i32>} : memref<6400xf32, #tpu.memory_space<vmem>>, vector<16xf32>,
        %add3A_406 = arith.constant 0 : i32
        %add3A_407 = arith.addi %add3A_406, %scan3A_395 : i32
        %get3A_408 = arith.index_cast %add3A_407 : i32 to index
        %get3A_409 = arith.constant 0 : index
        %get3A_410 = tpu.vector_load %arg12[%get3A_408, %get3A_409] {strides = array<i32>} : memref<200x128xf32, #tpu.memory_space<vmem>>, vector<16xf32>,
        %mul3A_411 = arith.mulf %get3A_410, %get3A_405 : vector<16xf32>
        %add3A_412 = arith.addf %scan3A_396, %mul3A_411 : vector<16xf32>
        %add3A_413 = arith.constant 50 : i32
        %add3A_414 = arith.addi %add3A_413, %scan3A_395 : i32
        %get3A_415 = arith.index_cast %add3A_414 : i32 to index
        %get3A_416 = arith.constant 0 : index
        %get3A_417 = tpu.vector_load %arg12[%get3A_415, %get3A_416] {strides = array<i32>} : memref<200x128xf32, #tpu.memory_space<vmem>>, vector<16xf32>,
        %mul3A_418 = arith.mulf %get3A_417, %get3A_405 : vector<16xf32>
        %add3A_419 = arith.addf %scan3A_397, %mul3A_418 : vector<16xf32>
        %add3A_420 = arith.constant 100 : i32
        %add3A_421 = arith.addi %add3A_420, %scan3A_395 : i32
        %get3A_422 = arith.index_cast %add3A_421 : i32 to index
        %get3A_423 = arith.constant 0 : index
        %get3A_424 = tpu.vector_load %arg12[%get3A_422, %get3A_423] {strides = array<i32>} : memref<200x128xf32, #tpu.memory_space<vmem>>, vector<16xf32>,
        %mul3A_425 = arith.mulf %get3A_424, %get3A_405 : vector<16xf32>
        %add3A_426 = arith.addf %scan3A_398, %mul3A_425 : vector<16xf32>
        %add3A_427 = arith.constant 150 : i32
        %add3A_428 = arith.addi %add3A_427, %scan3A_395 : i32
        %get3A_429 = arith.index_cast %add3A_428 : i32 to index
        %get3A_430 = arith.constant 0 : index
        %get3A_431 = tpu.vector_load %arg12[%get3A_429, %get3A_430] {strides = array<i32>} : memref<200x128xf32, #tpu.memory_space<vmem>>, vector<16xf32>,
        %mul3A_432 = arith.mulf %get3A_431, %get3A_405 : vector<16xf32>
        %add3A_433 = arith.addf %scan3A_399, %mul3A_432 : vector<16xf32>
        %mul3A_434 = arith.constant 128 : i32
        %mul3A_435 = arith.muli %scan3A_395, %mul3A_434 : i32
        %add3A_436 = arith.constant 16 : i32
        %add3A_437 = arith.addi %mul3A_435, %add3A_436 : i32
        %get3A_438 = arith.index_cast %add3A_437 : i32 to index
        %get3A_439 = tpu.vector_load %arg15[%get3A_438] {strides = array<i32>} : memref<6400xf32, #tpu.memory_space<vmem>>, vector<16xf32>,
        %add3A_440 = arith.constant 0 : i32
        %add3A_441 = arith.addi %add3A_440, %scan3A_395 : i32
        %get3A_442 = arith.index_cast %add3A_441 : i32 to index
        %get3A_443 = arith.constant 16 : index
        %get3A_444 = tpu.vector_load %arg12[%get3A_442, %get3A_443] {strides = array<i32>} : memref<200x128xf32, #tpu.memory_space<vmem>>, vector<16xf32>,
        %mul3A_445 = arith.mulf %get3A_444, %get3A_439 : vector<16xf32>
        %add3A_446 = arith.addf %add3A_412, %mul3A_445 : vector<16xf32>
        %add3A_447 = arith.constant 50 : i32
        %add3A_448 = arith.addi %add3A_447, %scan3A_395 : i32
        %get3A_449 = arith.index_cast %add3A_448 : i32 to index
        %get3A_450 = arith.constant 16 : index
        %get3A_451 = tpu.vector_load %arg12[%get3A_449, %get3A_450] {strides = array<i32>} : memref<200x128xf32, #tpu.memory_space<vmem>>, vector<16xf32>,
        %mul3A_452 = arith.mulf %get3A_451, %get3A_439 : vector<16xf32>
        %add3A_453 = arith.addf %add3A_419, %mul3A_452 : vector<16xf32>
        %add3A_454 = arith.constant 100 : i32
        %add3A_455 = arith.addi %add3A_454, %scan3A_395 : i32
        %get3A_456 = arith.index_cast %add3A_455 : i32 to index
        %get3A_457 = arith.constant 16 : index
        %get3A_458 = tpu.vector_load %arg12[%get3A_456, %get3A_457] {strides = array<i32>} : memref<200x128xf32, #tpu.memory_space<vmem>>, vector<16xf32>,
        %mul3A_459 = arith.mulf %get3A_458, %get3A_439 : vector<16xf32>
        %add3A_460 = arith.addf %add3A_426, %mul3A_459 : vector<16xf32>
        %add3A_461 = arith.constant 150 : i32
        %add3A_462 = arith.addi %add3A_461, %scan3A_395 : i32
        %get3A_463 = arith.index_cast %add3A_462 : i32 to index
        %get3A_464 = arith.constant 16 : index
        %get3A_465 = tpu.vector_load %arg12[%get3A_463, %get3A_464] {strides = array<i32>} : memref<200x128xf32, #tpu.memory_space<vmem>>, vector<16xf32>,
        %mul3A_466 = arith.mulf %get3A_465, %get3A_439 : vector<16xf32>
        %add3A_467 = arith.addf %add3A_433, %mul3A_466 : vector<16xf32>
        %mul3A_468 = arith.constant 128 : i32
        %mul3A_469 = arith.muli %scan3A_395, %mul3A_468 : i32
        %add3A_470 = arith.constant 32 : i32
        %add3A_471 = arith.addi %mul3A_469, %add3A_470 : i32
        %get3A_472 = arith.index_cast %add3A_471 : i32 to index
        %get3A_473 = tpu.vector_load %arg15[%get3A_472] {strides = array<i32>} : memref<6400xf32, #tpu.memory_space<vmem>>, vector<16xf32>,
        %add3A_474 = arith.constant 0 : i32
        %add3A_475 = arith.addi %add3A_474, %scan3A_395 : i32
        %get3A_476 = arith.index_cast %add3A_475 : i32 to index
        %get3A_477 = arith.constant 32 : index
        %get3A_478 = tpu.vector_load %arg12[%get3A_476, %get3A_477] {strides = array<i32>} : memref<200x128xf32, #tpu.memory_space<vmem>>, vector<16xf32>,
        %mul3A_479 = arith.mulf %get3A_478, %get3A_473 : vector<16xf32>
        %add3A_480 = arith.addf %add3A_446, %mul3A_479 : vector<16xf32>
        %add3A_481 = arith.constant 50 : i32
        %add3A_482 = arith.addi %add3A_481, %scan3A_395 : i32
        %get3A_483 = arith.index_cast %add3A_482 : i32 to index
        %get3A_484 = arith.constant 32 : index
        %get3A_485 = tpu.vector_load %arg12[%get3A_483, %get3A_484] {strides = array<i32>} : memref<200x128xf32, #tpu.memory_space<vmem>>, vector<16xf32>,
        %mul3A_486 = arith.mulf %get3A_485, %get3A_473 : vector<16xf32>
        %add3A_487 = arith.addf %add3A_453, %mul3A_486 : vector<16xf32>
        %add3A_488 = arith.constant 100 : i32
        %add3A_489 = arith.addi %add3A_488, %scan3A_395 : i32
        %get3A_490 = arith.index_cast %add3A_489 : i32 to index
        %get3A_491 = arith.constant 32 : index
        %get3A_492 = tpu.vector_load %arg12[%get3A_490, %get3A_491] {strides = array<i32>} : memref<200x128xf32, #tpu.memory_space<vmem>>, vector<16xf32>,
        %mul3A_493 = arith.mulf %get3A_492, %get3A_473 : vector<16xf32>
        %add3A_494 = arith.addf %add3A_460, %mul3A_493 : vector<16xf32>
        %add3A_495 = arith.constant 150 : i32
        %add3A_496 = arith.addi %add3A_495, %scan3A_395 : i32
        %get3A_497 = arith.index_cast %add3A_496 : i32 to index
        %get3A_498 = arith.constant 32 : index
        %get3A_499 = tpu.vector_load %arg12[%get3A_497, %get3A_498] {strides = array<i32>} : memref<200x128xf32, #tpu.memory_space<vmem>>, vector<16xf32>,
        %mul3A_500 = arith.mulf %get3A_499, %get3A_473 : vector<16xf32>
        %add3A_501 = arith.addf %add3A_467, %mul3A_500 : vector<16xf32>
        %mul3A_502 = arith.constant 128 : i32
        %mul3A_503 = arith.muli %scan3A_395, %mul3A_502 : i32
        %add3A_504 = arith.constant 48 : i32
        %add3A_505 = arith.addi %mul3A_503, %add3A_504 : i32
        %get3A_506 = arith.index_cast %add3A_505 : i32 to index
        %get3A_507 = tpu.vector_load %arg15[%get3A_506] {strides = array<i32>} : memref<6400xf32, #tpu.memory_space<vmem>>, vector<16xf32>,
        %add3A_508 = arith.constant 0 : i32
        %add3A_509 = arith.addi %add3A_508, %scan3A_395 : i32
        %get3A_510 = arith.index_cast %add3A_509 : i32 to index
        %get3A_511 = arith.constant 48 : index
        %get3A_512 = tpu.vector_load %arg12[%get3A_510, %get3A_511] {strides = array<i32>} : memref<200x128xf32, #tpu.memory_space<vmem>>, vector<16xf32>,
        %mul3A_513 = arith.mulf %get3A_512, %get3A_507 : vector<16xf32>
        %add3A_514 = arith.addf %add3A_480, %mul3A_513 : vector<16xf32>
        %add3A_515 = arith.constant 50 : i32
        %add3A_516 = arith.addi %add3A_515, %scan3A_395 : i32
        %get3A_517 = arith.index_cast %add3A_516 : i32 to index
        %get3A_518 = arith.constant 48 : index
        %get3A_519 = tpu.vector_load %arg12[%get3A_517, %get3A_518] {strides = array<i32>} : memref<200x128xf32, #tpu.memory_space<vmem>>, vector<16xf32>,
        %mul3A_520 = arith.mulf %get3A_519, %get3A_507 : vector<16xf32>
        %add3A_521 = arith.addf %add3A_487, %mul3A_520 : vector<16xf32>
        %add3A_522 = arith.constant 100 : i32
        %add3A_523 = arith.addi %add3A_522, %scan3A_395 : i32
        %get3A_524 = arith.index_cast %add3A_523 : i32 to index
        %get3A_525 = arith.constant 48 : index
        %get3A_526 = tpu.vector_load %arg12[%get3A_524, %get3A_525] {strides = array<i32>} : memref<200x128xf32, #tpu.memory_space<vmem>>, vector<16xf32>,
        %mul3A_527 = arith.mulf %get3A_526, %get3A_507 : vector<16xf32>
        %add3A_528 = arith.addf %add3A_494, %mul3A_527 : vector<16xf32>
        %add3A_529 = arith.constant 150 : i32
        %add3A_530 = arith.addi %add3A_529, %scan3A_395 : i32
        %get3A_531 = arith.index_cast %add3A_530 : i32 to index
        %get3A_532 = arith.constant 48 : index
        %get3A_533 = tpu.vector_load %arg12[%get3A_531, %get3A_532] {strides = array<i32>} : memref<200x128xf32, #tpu.memory_space<vmem>>, vector<16xf32>,
        %mul3A_534 = arith.mulf %get3A_533, %get3A_507 : vector<16xf32>
        %add3A_535 = arith.addf %add3A_501, %mul3A_534 : vector<16xf32>
        %mul3A_536 = arith.constant 128 : i32
        %mul3A_537 = arith.muli %scan3A_395, %mul3A_536 : i32
        %add3A_538 = arith.constant 64 : i32
        %add3A_539 = arith.addi %mul3A_537, %add3A_538 : i32
        %get3A_540 = arith.index_cast %add3A_539 : i32 to index
        %get3A_541 = tpu.vector_load %arg15[%get3A_540] {strides = array<i32>} : memref<6400xf32, #tpu.memory_space<vmem>>, vector<16xf32>,
        %add3A_542 = arith.constant 0 : i32
        %add3A_543 = arith.addi %add3A_542, %scan3A_395 : i32
        %get3A_544 = arith.index_cast %add3A_543 : i32 to index
        %get3A_545 = arith.constant 64 : index
        %get3A_546 = tpu.vector_load %arg12[%get3A_544, %get3A_545] {strides = array<i32>} : memref<200x128xf32, #tpu.memory_space<vmem>>, vector<16xf32>,
        %mul3A_547 = arith.mulf %get3A_546, %get3A_541 : vector<16xf32>
        %add3A_548 = arith.addf %add3A_514, %mul3A_547 : vector<16xf32>
        %add3A_549 = arith.constant 50 : i32
        %add3A_550 = arith.addi %add3A_549, %scan3A_395 : i32
        %get3A_551 = arith.index_cast %add3A_550 : i32 to index
        %get3A_552 = arith.constant 64 : index
        %get3A_553 = tpu.vector_load %arg12[%get3A_551, %get3A_552] {strides = array<i32>} : memref<200x128xf32, #tpu.memory_space<vmem>>, vector<16xf32>,
        %mul3A_554 = arith.mulf %get3A_553, %get3A_541 : vector<16xf32>
        %add3A_555 = arith.addf %add3A_521, %mul3A_554 : vector<16xf32>
        %add3A_556 = arith.constant 100 : i32
        %add3A_557 = arith.addi %add3A_556, %scan3A_395 : i32
        %get3A_558 = arith.index_cast %add3A_557 : i32 to index
        %get3A_559 = arith.constant 64 : index
        %get3A_560 = tpu.vector_load %arg12[%get3A_558, %get3A_559] {strides = array<i32>} : memref<200x128xf32, #tpu.memory_space<vmem>>, vector<16xf32>,
        %mul3A_561 = arith.mulf %get3A_560, %get3A_541 : vector<16xf32>
        %add3A_562 = arith.addf %add3A_528, %mul3A_561 : vector<16xf32>
        %add3A_563 = arith.constant 150 : i32
        %add3A_564 = arith.addi %add3A_563, %scan3A_395 : i32
        %get3A_565 = arith.index_cast %add3A_564 : i32 to index
        %get3A_566 = arith.constant 64 : index
        %get3A_567 = tpu.vector_load %arg12[%get3A_565, %get3A_566] {strides = array<i32>} : memref<200x128xf32, #tpu.memory_space<vmem>>, vector<16xf32>,
        %mul3A_568 = arith.mulf %get3A_567, %get3A_541 : vector<16xf32>
        %add3A_569 = arith.addf %add3A_535, %mul3A_568 : vector<16xf32>
        %mul3A_570 = arith.constant 128 : i32
        %mul3A_571 = arith.muli %scan3A_395, %mul3A_570 : i32
        %add3A_572 = arith.constant 80 : i32
        %add3A_573 = arith.addi %mul3A_571, %add3A_572 : i32
        %get3A_574 = arith.index_cast %add3A_573 : i32 to index
        %get3A_575 = tpu.vector_load %arg15[%get3A_574] {strides = array<i32>} : memref<6400xf32, #tpu.memory_space<vmem>>, vector<16xf32>,
        %add3A_576 = arith.constant 0 : i32
        %add3A_577 = arith.addi %add3A_576, %scan3A_395 : i32
        %get3A_578 = arith.index_cast %add3A_577 : i32 to index
        %get3A_579 = arith.constant 80 : index
        %get3A_580 = tpu.vector_load %arg12[%get3A_578, %get3A_579] {strides = array<i32>} : memref<200x128xf32, #tpu.memory_space<vmem>>, vector<16xf32>,
        %mul3A_581 = arith.mulf %get3A_580, %get3A_575 : vector<16xf32>
        %add3A_582 = arith.addf %add3A_548, %mul3A_581 : vector<16xf32>
        %add3A_583 = arith.constant 50 : i32
        %add3A_584 = arith.addi %add3A_583, %scan3A_395 : i32
        %get3A_585 = arith.index_cast %add3A_584 : i32 to index
        %get3A_586 = arith.constant 80 : index
        %get3A_587 = tpu.vector_load %arg12[%get3A_585, %get3A_586] {strides = array<i32>} : memref<200x128xf32, #tpu.memory_space<vmem>>, vector<16xf32>,
        %mul3A_588 = arith.mulf %get3A_587, %get3A_575 : vector<16xf32>
        %add3A_589 = arith.addf %add3A_555, %mul3A_588 : vector<16xf32>
        %add3A_590 = arith.constant 100 : i32
        %add3A_591 = arith.addi %add3A_590, %scan3A_395 : i32
        %get3A_592 = arith.index_cast %add3A_591 : i32 to index
        %get3A_593 = arith.constant 80 : index
        %get3A_594 = tpu.vector_load %arg12[%get3A_592, %get3A_593] {strides = array<i32>} : memref<200x128xf32, #tpu.memory_space<vmem>>, vector<16xf32>,
        %mul3A_595 = arith.mulf %get3A_594, %get3A_575 : vector<16xf32>
        %add3A_596 = arith.addf %add3A_562, %mul3A_595 : vector<16xf32>
        %add3A_597 = arith.constant 150 : i32
        %add3A_598 = arith.addi %add3A_597, %scan3A_395 : i32
        %get3A_599 = arith.index_cast %add3A_598 : i32 to index
        %get3A_600 = arith.constant 80 : index
        %get3A_601 = tpu.vector_load %arg12[%get3A_599, %get3A_600] {strides = array<i32>} : memref<200x128xf32, #tpu.memory_space<vmem>>, vector<16xf32>,
        %mul3A_602 = arith.mulf %get3A_601, %get3A_575 : vector<16xf32>
        %add3A_603 = arith.addf %add3A_569, %mul3A_602 : vector<16xf32>
        %mul3A_604 = arith.constant 128 : i32
        %mul3A_605 = arith.muli %scan3A_395, %mul3A_604 : i32
        %add3A_606 = arith.constant 96 : i32
        %add3A_607 = arith.addi %mul3A_605, %add3A_606 : i32
        %get3A_608 = arith.index_cast %add3A_607 : i32 to index
        %get3A_609 = tpu.vector_load %arg15[%get3A_608] {strides = array<i32>} : memref<6400xf32, #tpu.memory_space<vmem>>, vector<16xf32>,
        %add3A_610 = arith.constant 0 : i32
        %add3A_611 = arith.addi %add3A_610, %scan3A_395 : i32
        %get3A_612 = arith.index_cast %add3A_611 : i32 to index
        %get3A_613 = arith.constant 96 : index
        %get3A_614 = tpu.vector_load %arg12[%get3A_612, %get3A_613] {strides = array<i32>} : memref<200x128xf32, #tpu.memory_space<vmem>>, vector<16xf32>,
        %mul3A_615 = arith.mulf %get3A_614, %get3A_609 : vector<16xf32>
        %add3A_616 = arith.addf %add3A_582, %mul3A_615 : vector<16xf32>
        %add3A_617 = arith.constant 50 : i32
        %add3A_618 = arith.addi %add3A_617, %scan3A_395 : i32
        %get3A_619 = arith.index_cast %add3A_618 : i32 to index
        %get3A_620 = arith.constant 96 : index
        %get3A_621 = tpu.vector_load %arg12[%get3A_619, %get3A_620] {strides = array<i32>} : memref<200x128xf32, #tpu.memory_space<vmem>>, vector<16xf32>,
        %mul3A_622 = arith.mulf %get3A_621, %get3A_609 : vector<16xf32>
        %add3A_623 = arith.addf %add3A_589, %mul3A_622 : vector<16xf32>
        %add3A_624 = arith.constant 100 : i32
        %add3A_625 = arith.addi %add3A_624, %scan3A_395 : i32
        %get3A_626 = arith.index_cast %add3A_625 : i32 to index
        %get3A_627 = arith.constant 96 : index
        %get3A_628 = tpu.vector_load %arg12[%get3A_626, %get3A_627] {strides = array<i32>} : memref<200x128xf32, #tpu.memory_space<vmem>>, vector<16xf32>,
        %mul3A_629 = arith.mulf %get3A_628, %get3A_609 : vector<16xf32>
        %add3A_630 = arith.addf %add3A_596, %mul3A_629 : vector<16xf32>
        %add3A_631 = arith.constant 150 : i32
        %add3A_632 = arith.addi %add3A_631, %scan3A_395 : i32
        %get3A_633 = arith.index_cast %add3A_632 : i32 to index
        %get3A_634 = arith.constant 96 : index
        %get3A_635 = tpu.vector_load %arg12[%get3A_633, %get3A_634] {strides = array<i32>} : memref<200x128xf32, #tpu.memory_space<vmem>>, vector<16xf32>,
        %mul3A_636 = arith.mulf %get3A_635, %get3A_609 : vector<16xf32>
        %add3A_637 = arith.addf %add3A_603, %mul3A_636 : vector<16xf32>
        %mul3A_638 = arith.constant 128 : i32
        %mul3A_639 = arith.muli %scan3A_395, %mul3A_638 : i32
        %add3A_640 = arith.constant 112 : i32
        %add3A_641 = arith.addi %mul3A_639, %add3A_640 : i32
        %get3A_642 = arith.index_cast %add3A_641 : i32 to index
        %get3A_643 = tpu.vector_load %arg15[%get3A_642] {strides = array<i32>} : memref<6400xf32, #tpu.memory_space<vmem>>, vector<16xf32>,
        %add3A_644 = arith.constant 0 : i32
        %add3A_645 = arith.addi %add3A_644, %scan3A_395 : i32
        %get3A_646 = arith.index_cast %add3A_645 : i32 to index
        %get3A_647 = arith.constant 112 : index
        %get3A_648 = tpu.vector_load %arg12[%get3A_646, %get3A_647] {strides = array<i32>} : memref<200x128xf32, #tpu.memory_space<vmem>>, vector<16xf32>,
        %mul3A_649 = arith.mulf %get3A_648, %get3A_643 : vector<16xf32>
        %add3A_650 = arith.addf %add3A_616, %mul3A_649 : vector<16xf32>
        %add3A_651 = arith.constant 50 : i32
        %add3A_652 = arith.addi %add3A_651, %scan3A_395 : i32
        %get3A_653 = arith.index_cast %add3A_652 : i32 to index
        %get3A_654 = arith.constant 112 : index
        %get3A_655 = tpu.vector_load %arg12[%get3A_653, %get3A_654] {strides = array<i32>} : memref<200x128xf32, #tpu.memory_space<vmem>>, vector<16xf32>,
        %mul3A_656 = arith.mulf %get3A_655, %get3A_643 : vector<16xf32>
        %add3A_657 = arith.addf %add3A_623, %mul3A_656 : vector<16xf32>
        %add3A_658 = arith.constant 100 : i32
        %add3A_659 = arith.addi %add3A_658, %scan3A_395 : i32
        %get3A_660 = arith.index_cast %add3A_659 : i32 to index
        %get3A_661 = arith.constant 112 : index
        %get3A_662 = tpu.vector_load %arg12[%get3A_660, %get3A_661] {strides = array<i32>} : memref<200x128xf32, #tpu.memory_space<vmem>>, vector<16xf32>,
        %mul3A_663 = arith.mulf %get3A_662, %get3A_643 : vector<16xf32>
        %add3A_664 = arith.addf %add3A_630, %mul3A_663 : vector<16xf32>
        %add3A_665 = arith.constant 150 : i32
        %add3A_666 = arith.addi %add3A_665, %scan3A_395 : i32
        %get3A_667 = arith.index_cast %add3A_666 : i32 to index
        %get3A_668 = arith.constant 112 : index
        %get3A_669 = tpu.vector_load %arg12[%get3A_667, %get3A_668] {strides = array<i32>} : memref<200x128xf32, #tpu.memory_space<vmem>>, vector<16xf32>,
        %mul3A_670 = arith.mulf %get3A_669, %get3A_643 : vector<16xf32>
        %add3A_671 = arith.addf %add3A_637, %mul3A_670 : vector<16xf32>
        scf.yield %add3A_650, %add3A_657, %add3A_664, %add3A_671 : vector<16xf32>, vector<16xf32>, vector<16xf32>, vector<16xf32>
      }
      %scan3A_192 = arith.constant 50 : i32
      %swap3A_193 = arith.constant 4 : i32
      %swap3A_194 = arith.index_cast %swap3A_193 : i32 to index
      %swap3A_195 = arith.constant 0 : index
      %swap3A_196 = tpu.vector_load %arg18[%swap3A_194, %swap3A_195] {strides = array<i32>} : memref<16x16xf32, #tpu.memory_space<vmem>>, vector<16xf32>,
      tpu.vector_store %arg18[%swap3A_194, %swap3A_195], %scan3A_191#0 {strides = array<i32>} : memref<16x16xf32, #tpu.memory_space<vmem>>, vector<16xf32>,
      %swap3A_197 = arith.constant 5 : i32
      %swap3A_198 = arith.index_cast %swap3A_197 : i32 to index
      %swap3A_199 = arith.constant 0 : index
      %swap3A_200 = tpu.vector_load %arg18[%swap3A_198, %swap3A_199] {strides = array<i32>} : memref<16x16xf32, #tpu.memory_space<vmem>>, vector<16xf32>,
      tpu.vector_store %arg18[%swap3A_198, %swap3A_199], %scan3A_191#1 {strides = array<i32>} : memref<16x16xf32, #tpu.memory_space<vmem>>, vector<16xf32>,
      %swap3A_201 = arith.constant 6 : i32
      %swap3A_202 = arith.index_cast %swap3A_201 : i32 to index
      %swap3A_203 = arith.constant 0 : index
      %swap3A_204 = tpu.vector_load %arg18[%swap3A_202, %swap3A_203] {strides = array<i32>} : memref<16x16xf32, #tpu.memory_space<vmem>>, vector<16xf32>,
      tpu.vector_store %arg18[%swap3A_202, %swap3A_203], %scan3A_191#2 {strides = array<i32>} : memref<16x16xf32, #tpu.memory_space<vmem>>, vector<16xf32>,
      %swap3A_205 = arith.constant 7 : i32
      %swap3A_206 = arith.index_cast %swap3A_205 : i32 to index
      %swap3A_207 = arith.constant 0 : index
      %swap3A_208 = tpu.vector_load %arg18[%swap3A_206, %swap3A_207] {strides = array<i32>} : memref<16x16xf32, #tpu.memory_space<vmem>>, vector<16xf32>,
      tpu.vector_store %arg18[%swap3A_206, %swap3A_207], %scan3A_191#3 {strides = array<i32>} : memref<16x16xf32, #tpu.memory_space<vmem>>, vector<16xf32>,
      %add3A_209 = arith.constant 2 : i32
      %add3A_210 = arith.addi %mul3A_98, %add3A_209 : i32
      %add3A_211 = arith.constant 4 : i32
      %add3A_212 = arith.addi %add3A_210, %add3A_211 : i32
      %sub3A_213 = arith.constant 1 : i32
      %sub3A_214 = arith.subi %add3A_212, %sub3A_213 : i32
      %lt3A_215 = arith.constant 128 : i32
      %lt3A_216 = arith.cmpi slt, %sub3A_214, %lt3A_215 : i32
      %convert_element_type3A_217 = arith.extui %lt3A_216 : i1 to i32
      %cond3A_218 = arith.constant 0 : i32
      %cond3A_219 = arith.cmpi ne, %convert_element_type3A_217, %cond3A_218 : i32
      scf.if %cond3A_219 {
        %add3A_395 = arith.constant 4 : i32
        %add3A_396 = arith.addi %add3A_210, %add3A_395 : i32
        %sub3A_397 = arith.constant 1 : i32
        %sub3A_398 = arith.subi %add3A_396, %sub3A_397 : i32
        %mul3A_399 = arith.constant 4 : i32
        %mul3A_400 = arith.muli %sub3A_398, %mul3A_399 : i32
        %add3A_401 = arith.addi %mul3A_2, %mul3A_400 : i32
        %mul3A_402 = arith.constant 50 : i32
        %mul3A_403 = arith.muli %add3A_401, %mul3A_402 : i32
        %dma_wait3A_404 = tpu.memref_slice %arg2[%mul3A_403] : memref<819200xi32, #tpu.memory_space<hbm>> -> memref<200xi32, #tpu.memory_space<hbm>>
        %dma_wait3A_405 = tpu.memref_slice %arg2[%mul3A_403] : memref<819200xi32, #tpu.memory_space<hbm>> -> memref<200xi32, #tpu.memory_space<hbm>>
        tpu.wait_dma2 semaphore(%arg24 : memref<!tpu.dma_semaphore, #tpu.memory_space<semaphore_mem>>) src(%dma_wait3A_405 : memref<200xi32, #tpu.memory_space<hbm>>) dst(%arg8 : memref<200xi32, #tpu.memory_space<vmem>>)
        %add3A_406 = arith.constant 4 : i32
        %add3A_407 = arith.addi %add3A_210, %add3A_406 : i32
        %sub3A_408 = arith.constant 1 : i32
        %sub3A_409 = arith.subi %add3A_407, %sub3A_408 : i32
        %dma_start3A_410 = arith.constant 0 : i32
        %dma_start3A_411 = arith.constant 0 : i32
        %dma_start3A_412 = tpu.memref_slice %arg12[%dma_start3A_410, %dma_start3A_411] : memref<200x128xf32, #tpu.memory_space<vmem>> -> memref<128x128xf32, #tpu.memory_space<vmem>>
        %dma_start3A_413 = arith.constant 0 : i32
        %dma_start3A_414 = tpu.memref_slice %arg8[%dma_start3A_413] : memref<200xi32, #tpu.memory_space<vmem>> -> memref<128xi32, #tpu.memory_space<vmem>>
        %dma_start3A_415 = arith.constant 0 : i32
        %dma_start3A_416 = arith.constant 0 : i32
        %dma_start3A_417 = tpu.memref_slice %arg5[%dma_start3A_415, %dma_start3A_416] : memref<1000000x128xf32, #tpu.memory_space<hbm>> -> memref<1000000x128xf32, #tpu.memory_space<hbm>>
        tpu.enqueue_indirect_dma source(%dma_start3A_417 : memref<1000000x128xf32, #tpu.memory_space<hbm>>) target(%dma_start3A_412 : memref<128x128xf32, #tpu.memory_space<vmem>>) offsets(%dma_start3A_414 : memref<128xi32, #tpu.memory_space<vmem>>) semaphore(%arg20 : memref<!tpu.dma_semaphore, #tpu.memory_space<semaphore_mem>>)
        %dma_start3A_418 = arith.constant 128 : i32
        %dma_start3A_419 = arith.constant 0 : i32
        %dma_start3A_420 = tpu.memref_slice %arg12[%dma_start3A_418, %dma_start3A_419] : memref<200x128xf32, #tpu.memory_space<vmem>> -> memref<72x128xf32, #tpu.memory_space<vmem>>
        %dma_start3A_421 = arith.constant 128 : i32
        %dma_start3A_422 = tpu.memref_slice %arg8[%dma_start3A_421] : memref<200xi32, #tpu.memory_space<vmem>> -> memref<72xi32, #tpu.memory_space<vmem>>
        %dma_start3A_423 = arith.constant 0 : i32
        %dma_start3A_424 = arith.constant 0 : i32
        %dma_start3A_425 = tpu.memref_slice %arg5[%dma_start3A_423, %dma_start3A_424] : memref<1000000x128xf32, #tpu.memory_space<hbm>> -> memref<1000000x128xf32, #tpu.memory_space<hbm>>
        tpu.enqueue_indirect_dma source(%dma_start3A_425 : memref<1000000x128xf32, #tpu.memory_space<hbm>>) target(%dma_start3A_420 : memref<72x128xf32, #tpu.memory_space<vmem>>) offsets(%dma_start3A_422 : memref<72xi32, #tpu.memory_space<vmem>>) semaphore(%arg20 : memref<!tpu.dma_semaphore, #tpu.memory_space<semaphore_mem>>)
      } else {
      }
      %dma_wait3A_220 = arith.constant 0 : i32
      %dma_wait3A_221 = arith.constant 0 : i32
      %dma_wait3A_222 = tpu.memref_slice %arg13[%dma_wait3A_220, %dma_wait3A_221] : memref<200x128xf32, #tpu.memory_space<vmem>> -> memref<128x128xf32, #tpu.memory_space<vmem>>
      %dma_wait3A_223 = arith.constant 0 : i32
      %dma_wait3A_224 = tpu.memref_slice %arg9[%dma_wait3A_223] : memref<200xi32, #tpu.memory_space<vmem>> -> memref<128xi32, #tpu.memory_space<vmem>>
      %dma_wait3A_225 = arith.constant 0 : i32
      %dma_wait3A_226 = arith.constant 0 : i32
      %dma_wait3A_227 = tpu.memref_slice %arg5[%dma_wait3A_225, %dma_wait3A_226] : memref<1000000x128xf32, #tpu.memory_space<hbm>> -> memref<1000000x128xf32, #tpu.memory_space<hbm>>
      tpu.wait_indirect_dma semaphore(%arg21 : memref<!tpu.dma_semaphore, #tpu.memory_space<semaphore_mem>>) src(%dma_wait3A_227 : memref<1000000x128xf32, #tpu.memory_space<hbm>>) dst(%dma_wait3A_222 : memref<128x128xf32, #tpu.memory_space<vmem>>)
      %dma_wait3A_228 = arith.constant 128 : i32
      %dma_wait3A_229 = arith.constant 0 : i32
      %dma_wait3A_230 = tpu.memref_slice %arg13[%dma_wait3A_228, %dma_wait3A_229] : memref<200x128xf32, #tpu.memory_space<vmem>> -> memref<72x128xf32, #tpu.memory_space<vmem>>
      %dma_wait3A_231 = arith.constant 128 : i32
      %dma_wait3A_232 = tpu.memref_slice %arg9[%dma_wait3A_231] : memref<200xi32, #tpu.memory_space<vmem>> -> memref<72xi32, #tpu.memory_space<vmem>>
      %dma_wait3A_233 = arith.constant 0 : i32
      %dma_wait3A_234 = arith.constant 0 : i32
      %dma_wait3A_235 = tpu.memref_slice %arg5[%dma_wait3A_233, %dma_wait3A_234] : memref<1000000x128xf32, #tpu.memory_space<hbm>> -> memref<1000000x128xf32, #tpu.memory_space<hbm>>
      tpu.wait_indirect_dma semaphore(%arg21 : memref<!tpu.dma_semaphore, #tpu.memory_space<semaphore_mem>>) src(%dma_wait3A_235 : memref<1000000x128xf32, #tpu.memory_space<hbm>>) dst(%dma_wait3A_230 : memref<72x128xf32, #tpu.memory_space<vmem>>)
      %add3A_236 = arith.constant 4 : i32
      %add3A_237 = arith.addi %add3A_210, %add3A_236 : i32
      %lt3A_238 = arith.constant 128 : i32
      %lt3A_239 = arith.cmpi slt, %add3A_237, %lt3A_238 : i32
      %convert_element_type3A_240 = arith.extui %lt3A_239 : i1 to i32
      %cond3A_241 = arith.constant 0 : i32
      %cond3A_242 = arith.cmpi ne, %convert_element_type3A_240, %cond3A_241 : i32
      scf.if %cond3A_242 {
        %add3A_395 = arith.constant 4 : i32
        %add3A_396 = arith.addi %add3A_210, %add3A_395 : i32
        %mul3A_397 = arith.constant 4 : i32
        %mul3A_398 = arith.muli %add3A_396, %mul3A_397 : i32
        %add3A_399 = arith.addi %mul3A_2, %mul3A_398 : i32
        %mul3A_400 = arith.constant 50 : i32
        %mul3A_401 = arith.muli %add3A_399, %mul3A_400 : i32
        %dma_start3A_402 = tpu.memref_slice %arg2[%mul3A_401] : memref<819200xi32, #tpu.memory_space<hbm>> -> memref<200xi32, #tpu.memory_space<hbm>>
        %dma_start3A_403 = tpu.memref_slice %arg2[%mul3A_401] : memref<819200xi32, #tpu.memory_space<hbm>> -> memref<200xi32, #tpu.memory_space<hbm>>
        tpu.enqueue_dma source(%dma_start3A_403 : memref<200xi32, #tpu.memory_space<hbm>>) target(%arg9 : memref<200xi32, #tpu.memory_space<vmem>>) target_semaphore(%arg25 : memref<!tpu.dma_semaphore, #tpu.memory_space<semaphore_mem>>)
      } else {
      }
      %broadcast_in_dim3A_243 = arith.constant 0.000000e+00 : f32
      %broadcast_in_dim3A_244 = vector.broadcast %broadcast_in_dim3A_243 : f32 to vector<16xf32>
      %scan3A_245 = arith.constant 0 : i32
      %scan3A_246 = arith.constant 50 : i32
      %scan3A_247 = arith.addi %scan3A_245, %scan3A_246 : i32
      %scan3A_248 = arith.constant 1 : i32
      %scan3A_249:4 = scf.for %scan3A_395 = %scan3A_245 to %scan3A_247 step %scan3A_248 iter_args(%scan3A_396 = %broadcast_in_dim3A_244, %scan3A_397 = %broadcast_in_dim3A_244, %scan3A_398 = %broadcast_in_dim3A_244, %scan3A_399 = %broadcast_in_dim3A_244) -> (vector<16xf32>, vector<16xf32>, vector<16xf32>, vector<16xf32>)  : i32 {
        %mul3A_400 = arith.constant 128 : i32
        %mul3A_401 = arith.muli %scan3A_395, %mul3A_400 : i32
        %add3A_402 = arith.constant 0 : i32
        %add3A_403 = arith.addi %mul3A_401, %add3A_402 : i32
        %get3A_404 = arith.index_cast %add3A_403 : i32 to index
        %get3A_405 = tpu.vector_load %arg15[%get3A_404] {strides = array<i32>} : memref<6400xf32, #tpu.memory_space<vmem>>, vector<16xf32>,
        %add3A_406 = arith.constant 0 : i32
        %add3A_407 = arith.addi %add3A_406, %scan3A_395 : i32
        %get3A_408 = arith.index_cast %add3A_407 : i32 to index
        %get3A_409 = arith.constant 0 : index
        %get3A_410 = tpu.vector_load %arg13[%get3A_408, %get3A_409] {strides = array<i32>} : memref<200x128xf32, #tpu.memory_space<vmem>>, vector<16xf32>,
        %mul3A_411 = arith.mulf %get3A_410, %get3A_405 : vector<16xf32>
        %add3A_412 = arith.addf %scan3A_396, %mul3A_411 : vector<16xf32>
        %add3A_413 = arith.constant 50 : i32
        %add3A_414 = arith.addi %add3A_413, %scan3A_395 : i32
        %get3A_415 = arith.index_cast %add3A_414 : i32 to index
        %get3A_416 = arith.constant 0 : index
        %get3A_417 = tpu.vector_load %arg13[%get3A_415, %get3A_416] {strides = array<i32>} : memref<200x128xf32, #tpu.memory_space<vmem>>, vector<16xf32>,
        %mul3A_418 = arith.mulf %get3A_417, %get3A_405 : vector<16xf32>
        %add3A_419 = arith.addf %scan3A_397, %mul3A_418 : vector<16xf32>
        %add3A_420 = arith.constant 100 : i32
        %add3A_421 = arith.addi %add3A_420, %scan3A_395 : i32
        %get3A_422 = arith.index_cast %add3A_421 : i32 to index
        %get3A_423 = arith.constant 0 : index
        %get3A_424 = tpu.vector_load %arg13[%get3A_422, %get3A_423] {strides = array<i32>} : memref<200x128xf32, #tpu.memory_space<vmem>>, vector<16xf32>,
        %mul3A_425 = arith.mulf %get3A_424, %get3A_405 : vector<16xf32>
        %add3A_426 = arith.addf %scan3A_398, %mul3A_425 : vector<16xf32>
        %add3A_427 = arith.constant 150 : i32
        %add3A_428 = arith.addi %add3A_427, %scan3A_395 : i32
        %get3A_429 = arith.index_cast %add3A_428 : i32 to index
        %get3A_430 = arith.constant 0 : index
        %get3A_431 = tpu.vector_load %arg13[%get3A_429, %get3A_430] {strides = array<i32>} : memref<200x128xf32, #tpu.memory_space<vmem>>, vector<16xf32>,
        %mul3A_432 = arith.mulf %get3A_431, %get3A_405 : vector<16xf32>
        %add3A_433 = arith.addf %scan3A_399, %mul3A_432 : vector<16xf32>
        %mul3A_434 = arith.constant 128 : i32
        %mul3A_435 = arith.muli %scan3A_395, %mul3A_434 : i32
        %add3A_436 = arith.constant 16 : i32
        %add3A_437 = arith.addi %mul3A_435, %add3A_436 : i32
        %get3A_438 = arith.index_cast %add3A_437 : i32 to index
        %get3A_439 = tpu.vector_load %arg15[%get3A_438] {strides = array<i32>} : memref<6400xf32, #tpu.memory_space<vmem>>, vector<16xf32>,
        %add3A_440 = arith.constant 0 : i32
        %add3A_441 = arith.addi %add3A_440, %scan3A_395 : i32
        %get3A_442 = arith.index_cast %add3A_441 : i32 to index
        %get3A_443 = arith.constant 16 : index
        %get3A_444 = tpu.vector_load %arg13[%get3A_442, %get3A_443] {strides = array<i32>} : memref<200x128xf32, #tpu.memory_space<vmem>>, vector<16xf32>,
        %mul3A_445 = arith.mulf %get3A_444, %get3A_439 : vector<16xf32>
        %add3A_446 = arith.addf %add3A_412, %mul3A_445 : vector<16xf32>
        %add3A_447 = arith.constant 50 : i32
        %add3A_448 = arith.addi %add3A_447, %scan3A_395 : i32
        %get3A_449 = arith.index_cast %add3A_448 : i32 to index
        %get3A_450 = arith.constant 16 : index
        %get3A_451 = tpu.vector_load %arg13[%get3A_449, %get3A_450] {strides = array<i32>} : memref<200x128xf32, #tpu.memory_space<vmem>>, vector<16xf32>,
        %mul3A_452 = arith.mulf %get3A_451, %get3A_439 : vector<16xf32>
        %add3A_453 = arith.addf %add3A_419, %mul3A_452 : vector<16xf32>
        %add3A_454 = arith.constant 100 : i32
        %add3A_455 = arith.addi %add3A_454, %scan3A_395 : i32
        %get3A_456 = arith.index_cast %add3A_455 : i32 to index
        %get3A_457 = arith.constant 16 : index
        %get3A_458 = tpu.vector_load %arg13[%get3A_456, %get3A_457] {strides = array<i32>} : memref<200x128xf32, #tpu.memory_space<vmem>>, vector<16xf32>,
        %mul3A_459 = arith.mulf %get3A_458, %get3A_439 : vector<16xf32>
        %add3A_460 = arith.addf %add3A_426, %mul3A_459 : vector<16xf32>
        %add3A_461 = arith.constant 150 : i32
        %add3A_462 = arith.addi %add3A_461, %scan3A_395 : i32
        %get3A_463 = arith.index_cast %add3A_462 : i32 to index
        %get3A_464 = arith.constant 16 : index
        %get3A_465 = tpu.vector_load %arg13[%get3A_463, %get3A_464] {strides = array<i32>} : memref<200x128xf32, #tpu.memory_space<vmem>>, vector<16xf32>,
        %mul3A_466 = arith.mulf %get3A_465, %get3A_439 : vector<16xf32>
        %add3A_467 = arith.addf %add3A_433, %mul3A_466 : vector<16xf32>
        %mul3A_468 = arith.constant 128 : i32
        %mul3A_469 = arith.muli %scan3A_395, %mul3A_468 : i32
        %add3A_470 = arith.constant 32 : i32
        %add3A_471 = arith.addi %mul3A_469, %add3A_470 : i32
        %get3A_472 = arith.index_cast %add3A_471 : i32 to index
        %get3A_473 = tpu.vector_load %arg15[%get3A_472] {strides = array<i32>} : memref<6400xf32, #tpu.memory_space<vmem>>, vector<16xf32>,
        %add3A_474 = arith.constant 0 : i32
        %add3A_475 = arith.addi %add3A_474, %scan3A_395 : i32
        %get3A_476 = arith.index_cast %add3A_475 : i32 to index
        %get3A_477 = arith.constant 32 : index
        %get3A_478 = tpu.vector_load %arg13[%get3A_476, %get3A_477] {strides = array<i32>} : memref<200x128xf32, #tpu.memory_space<vmem>>, vector<16xf32>,
        %mul3A_479 = arith.mulf %get3A_478, %get3A_473 : vector<16xf32>
        %add3A_480 = arith.addf %add3A_446, %mul3A_479 : vector<16xf32>
        %add3A_481 = arith.constant 50 : i32
        %add3A_482 = arith.addi %add3A_481, %scan3A_395 : i32
        %get3A_483 = arith.index_cast %add3A_482 : i32 to index
        %get3A_484 = arith.constant 32 : index
        %get3A_485 = tpu.vector_load %arg13[%get3A_483, %get3A_484] {strides = array<i32>} : memref<200x128xf32, #tpu.memory_space<vmem>>, vector<16xf32>,
        %mul3A_486 = arith.mulf %get3A_485, %get3A_473 : vector<16xf32>
        %add3A_487 = arith.addf %add3A_453, %mul3A_486 : vector<16xf32>
        %add3A_488 = arith.constant 100 : i32
        %add3A_489 = arith.addi %add3A_488, %scan3A_395 : i32
        %get3A_490 = arith.index_cast %add3A_489 : i32 to index
        %get3A_491 = arith.constant 32 : index
        %get3A_492 = tpu.vector_load %arg13[%get3A_490, %get3A_491] {strides = array<i32>} : memref<200x128xf32, #tpu.memory_space<vmem>>, vector<16xf32>,
        %mul3A_493 = arith.mulf %get3A_492, %get3A_473 : vector<16xf32>
        %add3A_494 = arith.addf %add3A_460, %mul3A_493 : vector<16xf32>
        %add3A_495 = arith.constant 150 : i32
        %add3A_496 = arith.addi %add3A_495, %scan3A_395 : i32
        %get3A_497 = arith.index_cast %add3A_496 : i32 to index
        %get3A_498 = arith.constant 32 : index
        %get3A_499 = tpu.vector_load %arg13[%get3A_497, %get3A_498] {strides = array<i32>} : memref<200x128xf32, #tpu.memory_space<vmem>>, vector<16xf32>,
        %mul3A_500 = arith.mulf %get3A_499, %get3A_473 : vector<16xf32>
        %add3A_501 = arith.addf %add3A_467, %mul3A_500 : vector<16xf32>
        %mul3A_502 = arith.constant 128 : i32
        %mul3A_503 = arith.muli %scan3A_395, %mul3A_502 : i32
        %add3A_504 = arith.constant 48 : i32
        %add3A_505 = arith.addi %mul3A_503, %add3A_504 : i32
        %get3A_506 = arith.index_cast %add3A_505 : i32 to index
        %get3A_507 = tpu.vector_load %arg15[%get3A_506] {strides = array<i32>} : memref<6400xf32, #tpu.memory_space<vmem>>, vector<16xf32>,
        %add3A_508 = arith.constant 0 : i32
        %add3A_509 = arith.addi %add3A_508, %scan3A_395 : i32
        %get3A_510 = arith.index_cast %add3A_509 : i32 to index
        %get3A_511 = arith.constant 48 : index
        %get3A_512 = tpu.vector_load %arg13[%get3A_510, %get3A_511] {strides = array<i32>} : memref<200x128xf32, #tpu.memory_space<vmem>>, vector<16xf32>,
        %mul3A_513 = arith.mulf %get3A_512, %get3A_507 : vector<16xf32>
        %add3A_514 = arith.addf %add3A_480, %mul3A_513 : vector<16xf32>
        %add3A_515 = arith.constant 50 : i32
        %add3A_516 = arith.addi %add3A_515, %scan3A_395 : i32
        %get3A_517 = arith.index_cast %add3A_516 : i32 to index
        %get3A_518 = arith.constant 48 : index
        %get3A_519 = tpu.vector_load %arg13[%get3A_517, %get3A_518] {strides = array<i32>} : memref<200x128xf32, #tpu.memory_space<vmem>>, vector<16xf32>,
        %mul3A_520 = arith.mulf %get3A_519, %get3A_507 : vector<16xf32>
        %add3A_521 = arith.addf %add3A_487, %mul3A_520 : vector<16xf32>
        %add3A_522 = arith.constant 100 : i32
        %add3A_523 = arith.addi %add3A_522, %scan3A_395 : i32
        %get3A_524 = arith.index_cast %add3A_523 : i32 to index
        %get3A_525 = arith.constant 48 : index
        %get3A_526 = tpu.vector_load %arg13[%get3A_524, %get3A_525] {strides = array<i32>} : memref<200x128xf32, #tpu.memory_space<vmem>>, vector<16xf32>,
        %mul3A_527 = arith.mulf %get3A_526, %get3A_507 : vector<16xf32>
        %add3A_528 = arith.addf %add3A_494, %mul3A_527 : vector<16xf32>
        %add3A_529 = arith.constant 150 : i32
        %add3A_530 = arith.addi %add3A_529, %scan3A_395 : i32
        %get3A_531 = arith.index_cast %add3A_530 : i32 to index
        %get3A_532 = arith.constant 48 : index
        %get3A_533 = tpu.vector_load %arg13[%get3A_531, %get3A_532] {strides = array<i32>} : memref<200x128xf32, #tpu.memory_space<vmem>>, vector<16xf32>,
        %mul3A_534 = arith.mulf %get3A_533, %get3A_507 : vector<16xf32>
        %add3A_535 = arith.addf %add3A_501, %mul3A_534 : vector<16xf32>
        %mul3A_536 = arith.constant 128 : i32
        %mul3A_537 = arith.muli %scan3A_395, %mul3A_536 : i32
        %add3A_538 = arith.constant 64 : i32
        %add3A_539 = arith.addi %mul3A_537, %add3A_538 : i32
        %get3A_540 = arith.index_cast %add3A_539 : i32 to index
        %get3A_541 = tpu.vector_load %arg15[%get3A_540] {strides = array<i32>} : memref<6400xf32, #tpu.memory_space<vmem>>, vector<16xf32>,
        %add3A_542 = arith.constant 0 : i32
        %add3A_543 = arith.addi %add3A_542, %scan3A_395 : i32
        %get3A_544 = arith.index_cast %add3A_543 : i32 to index
        %get3A_545 = arith.constant 64 : index
        %get3A_546 = tpu.vector_load %arg13[%get3A_544, %get3A_545] {strides = array<i32>} : memref<200x128xf32, #tpu.memory_space<vmem>>, vector<16xf32>,
        %mul3A_547 = arith.mulf %get3A_546, %get3A_541 : vector<16xf32>
        %add3A_548 = arith.addf %add3A_514, %mul3A_547 : vector<16xf32>
        %add3A_549 = arith.constant 50 : i32
        %add3A_550 = arith.addi %add3A_549, %scan3A_395 : i32
        %get3A_551 = arith.index_cast %add3A_550 : i32 to index
        %get3A_552 = arith.constant 64 : index
        %get3A_553 = tpu.vector_load %arg13[%get3A_551, %get3A_552] {strides = array<i32>} : memref<200x128xf32, #tpu.memory_space<vmem>>, vector<16xf32>,
        %mul3A_554 = arith.mulf %get3A_553, %get3A_541 : vector<16xf32>
        %add3A_555 = arith.addf %add3A_521, %mul3A_554 : vector<16xf32>
        %add3A_556 = arith.constant 100 : i32
        %add3A_557 = arith.addi %add3A_556, %scan3A_395 : i32
        %get3A_558 = arith.index_cast %add3A_557 : i32 to index
        %get3A_559 = arith.constant 64 : index
        %get3A_560 = tpu.vector_load %arg13[%get3A_558, %get3A_559] {strides = array<i32>} : memref<200x128xf32, #tpu.memory_space<vmem>>, vector<16xf32>,
        %mul3A_561 = arith.mulf %get3A_560, %get3A_541 : vector<16xf32>
        %add3A_562 = arith.addf %add3A_528, %mul3A_561 : vector<16xf32>
        %add3A_563 = arith.constant 150 : i32
        %add3A_564 = arith.addi %add3A_563, %scan3A_395 : i32
        %get3A_565 = arith.index_cast %add3A_564 : i32 to index
        %get3A_566 = arith.constant 64 : index
        %get3A_567 = tpu.vector_load %arg13[%get3A_565, %get3A_566] {strides = array<i32>} : memref<200x128xf32, #tpu.memory_space<vmem>>, vector<16xf32>,
        %mul3A_568 = arith.mulf %get3A_567, %get3A_541 : vector<16xf32>
        %add3A_569 = arith.addf %add3A_535, %mul3A_568 : vector<16xf32>
        %mul3A_570 = arith.constant 128 : i32
        %mul3A_571 = arith.muli %scan3A_395, %mul3A_570 : i32
        %add3A_572 = arith.constant 80 : i32
        %add3A_573 = arith.addi %mul3A_571, %add3A_572 : i32
        %get3A_574 = arith.index_cast %add3A_573 : i32 to index
        %get3A_575 = tpu.vector_load %arg15[%get3A_574] {strides = array<i32>} : memref<6400xf32, #tpu.memory_space<vmem>>, vector<16xf32>,
        %add3A_576 = arith.constant 0 : i32
        %add3A_577 = arith.addi %add3A_576, %scan3A_395 : i32
        %get3A_578 = arith.index_cast %add3A_577 : i32 to index
        %get3A_579 = arith.constant 80 : index
        %get3A_580 = tpu.vector_load %arg13[%get3A_578, %get3A_579] {strides = array<i32>} : memref<200x128xf32, #tpu.memory_space<vmem>>, vector<16xf32>,
        %mul3A_581 = arith.mulf %get3A_580, %get3A_575 : vector<16xf32>
        %add3A_582 = arith.addf %add3A_548, %mul3A_581 : vector<16xf32>
        %add3A_583 = arith.constant 50 : i32
        %add3A_584 = arith.addi %add3A_583, %scan3A_395 : i32
        %get3A_585 = arith.index_cast %add3A_584 : i32 to index
        %get3A_586 = arith.constant 80 : index
        %get3A_587 = tpu.vector_load %arg13[%get3A_585, %get3A_586] {strides = array<i32>} : memref<200x128xf32, #tpu.memory_space<vmem>>, vector<16xf32>,
        %mul3A_588 = arith.mulf %get3A_587, %get3A_575 : vector<16xf32>
        %add3A_589 = arith.addf %add3A_555, %mul3A_588 : vector<16xf32>
        %add3A_590 = arith.constant 100 : i32
        %add3A_591 = arith.addi %add3A_590, %scan3A_395 : i32
        %get3A_592 = arith.index_cast %add3A_591 : i32 to index
        %get3A_593 = arith.constant 80 : index
        %get3A_594 = tpu.vector_load %arg13[%get3A_592, %get3A_593] {strides = array<i32>} : memref<200x128xf32, #tpu.memory_space<vmem>>, vector<16xf32>,
        %mul3A_595 = arith.mulf %get3A_594, %get3A_575 : vector<16xf32>
        %add3A_596 = arith.addf %add3A_562, %mul3A_595 : vector<16xf32>
        %add3A_597 = arith.constant 150 : i32
        %add3A_598 = arith.addi %add3A_597, %scan3A_395 : i32
        %get3A_599 = arith.index_cast %add3A_598 : i32 to index
        %get3A_600 = arith.constant 80 : index
        %get3A_601 = tpu.vector_load %arg13[%get3A_599, %get3A_600] {strides = array<i32>} : memref<200x128xf32, #tpu.memory_space<vmem>>, vector<16xf32>,
        %mul3A_602 = arith.mulf %get3A_601, %get3A_575 : vector<16xf32>
        %add3A_603 = arith.addf %add3A_569, %mul3A_602 : vector<16xf32>
        %mul3A_604 = arith.constant 128 : i32
        %mul3A_605 = arith.muli %scan3A_395, %mul3A_604 : i32
        %add3A_606 = arith.constant 96 : i32
        %add3A_607 = arith.addi %mul3A_605, %add3A_606 : i32
        %get3A_608 = arith.index_cast %add3A_607 : i32 to index
        %get3A_609 = tpu.vector_load %arg15[%get3A_608] {strides = array<i32>} : memref<6400xf32, #tpu.memory_space<vmem>>, vector<16xf32>,
        %add3A_610 = arith.constant 0 : i32
        %add3A_611 = arith.addi %add3A_610, %scan3A_395 : i32
        %get3A_612 = arith.index_cast %add3A_611 : i32 to index
        %get3A_613 = arith.constant 96 : index
        %get3A_614 = tpu.vector_load %arg13[%get3A_612, %get3A_613] {strides = array<i32>} : memref<200x128xf32, #tpu.memory_space<vmem>>, vector<16xf32>,
        %mul3A_615 = arith.mulf %get3A_614, %get3A_609 : vector<16xf32>
        %add3A_616 = arith.addf %add3A_582, %mul3A_615 : vector<16xf32>
        %add3A_617 = arith.constant 50 : i32
        %add3A_618 = arith.addi %add3A_617, %scan3A_395 : i32
        %get3A_619 = arith.index_cast %add3A_618 : i32 to index
        %get3A_620 = arith.constant 96 : index
        %get3A_621 = tpu.vector_load %arg13[%get3A_619, %get3A_620] {strides = array<i32>} : memref<200x128xf32, #tpu.memory_space<vmem>>, vector<16xf32>,
        %mul3A_622 = arith.mulf %get3A_621, %get3A_609 : vector<16xf32>
        %add3A_623 = arith.addf %add3A_589, %mul3A_622 : vector<16xf32>
        %add3A_624 = arith.constant 100 : i32
        %add3A_625 = arith.addi %add3A_624, %scan3A_395 : i32
        %get3A_626 = arith.index_cast %add3A_625 : i32 to index
        %get3A_627 = arith.constant 96 : index
        %get3A_628 = tpu.vector_load %arg13[%get3A_626, %get3A_627] {strides = array<i32>} : memref<200x128xf32, #tpu.memory_space<vmem>>, vector<16xf32>,
        %mul3A_629 = arith.mulf %get3A_628, %get3A_609 : vector<16xf32>
        %add3A_630 = arith.addf %add3A_596, %mul3A_629 : vector<16xf32>
        %add3A_631 = arith.constant 150 : i32
        %add3A_632 = arith.addi %add3A_631, %scan3A_395 : i32
        %get3A_633 = arith.index_cast %add3A_632 : i32 to index
        %get3A_634 = arith.constant 96 : index
        %get3A_635 = tpu.vector_load %arg13[%get3A_633, %get3A_634] {strides = array<i32>} : memref<200x128xf32, #tpu.memory_space<vmem>>, vector<16xf32>,
        %mul3A_636 = arith.mulf %get3A_635, %get3A_609 : vector<16xf32>
        %add3A_637 = arith.addf %add3A_603, %mul3A_636 : vector<16xf32>
        %mul3A_638 = arith.constant 128 : i32
        %mul3A_639 = arith.muli %scan3A_395, %mul3A_638 : i32
        %add3A_640 = arith.constant 112 : i32
        %add3A_641 = arith.addi %mul3A_639, %add3A_640 : i32
        %get3A_642 = arith.index_cast %add3A_641 : i32 to index
        %get3A_643 = tpu.vector_load %arg15[%get3A_642] {strides = array<i32>} : memref<6400xf32, #tpu.memory_space<vmem>>, vector<16xf32>,
        %add3A_644 = arith.constant 0 : i32
        %add3A_645 = arith.addi %add3A_644, %scan3A_395 : i32
        %get3A_646 = arith.index_cast %add3A_645 : i32 to index
        %get3A_647 = arith.constant 112 : index
        %get3A_648 = tpu.vector_load %arg13[%get3A_646, %get3A_647] {strides = array<i32>} : memref<200x128xf32, #tpu.memory_space<vmem>>, vector<16xf32>,
        %mul3A_649 = arith.mulf %get3A_648, %get3A_643 : vector<16xf32>
        %add3A_650 = arith.addf %add3A_616, %mul3A_649 : vector<16xf32>
        %add3A_651 = arith.constant 50 : i32
        %add3A_652 = arith.addi %add3A_651, %scan3A_395 : i32
        %get3A_653 = arith.index_cast %add3A_652 : i32 to index
        %get3A_654 = arith.constant 112 : index
        %get3A_655 = tpu.vector_load %arg13[%get3A_653, %get3A_654] {strides = array<i32>} : memref<200x128xf32, #tpu.memory_space<vmem>>, vector<16xf32>,
        %mul3A_656 = arith.mulf %get3A_655, %get3A_643 : vector<16xf32>
        %add3A_657 = arith.addf %add3A_623, %mul3A_656 : vector<16xf32>
        %add3A_658 = arith.constant 100 : i32
        %add3A_659 = arith.addi %add3A_658, %scan3A_395 : i32
        %get3A_660 = arith.index_cast %add3A_659 : i32 to index
        %get3A_661 = arith.constant 112 : index
        %get3A_662 = tpu.vector_load %arg13[%get3A_660, %get3A_661] {strides = array<i32>} : memref<200x128xf32, #tpu.memory_space<vmem>>, vector<16xf32>,
        %mul3A_663 = arith.mulf %get3A_662, %get3A_643 : vector<16xf32>
        %add3A_664 = arith.addf %add3A_630, %mul3A_663 : vector<16xf32>
        %add3A_665 = arith.constant 150 : i32
        %add3A_666 = arith.addi %add3A_665, %scan3A_395 : i32
        %get3A_667 = arith.index_cast %add3A_666 : i32 to index
        %get3A_668 = arith.constant 112 : index
        %get3A_669 = tpu.vector_load %arg13[%get3A_667, %get3A_668] {strides = array<i32>} : memref<200x128xf32, #tpu.memory_space<vmem>>, vector<16xf32>,
        %mul3A_670 = arith.mulf %get3A_669, %get3A_643 : vector<16xf32>
        %add3A_671 = arith.addf %add3A_637, %mul3A_670 : vector<16xf32>
        scf.yield %add3A_650, %add3A_657, %add3A_664, %add3A_671 : vector<16xf32>, vector<16xf32>, vector<16xf32>, vector<16xf32>
      }
      %scan3A_250 = arith.constant 50 : i32
      %swap3A_251 = arith.constant 8 : i32
      %swap3A_252 = arith.index_cast %swap3A_251 : i32 to index
      %swap3A_253 = arith.constant 0 : index
      %swap3A_254 = tpu.vector_load %arg18[%swap3A_252, %swap3A_253] {strides = array<i32>} : memref<16x16xf32, #tpu.memory_space<vmem>>, vector<16xf32>,
      tpu.vector_store %arg18[%swap3A_252, %swap3A_253], %scan3A_249#0 {strides = array<i32>} : memref<16x16xf32, #tpu.memory_space<vmem>>, vector<16xf32>,
      %swap3A_255 = arith.constant 9 : i32
      %swap3A_256 = arith.index_cast %swap3A_255 : i32 to index
      %swap3A_257 = arith.constant 0 : index
      %swap3A_258 = tpu.vector_load %arg18[%swap3A_256, %swap3A_257] {strides = array<i32>} : memref<16x16xf32, #tpu.memory_space<vmem>>, vector<16xf32>,
      tpu.vector_store %arg18[%swap3A_256, %swap3A_257], %scan3A_249#1 {strides = array<i32>} : memref<16x16xf32, #tpu.memory_space<vmem>>, vector<16xf32>,
      %swap3A_259 = arith.constant 10 : i32
      %swap3A_260 = arith.index_cast %swap3A_259 : i32 to index
      %swap3A_261 = arith.constant 0 : index
      %swap3A_262 = tpu.vector_load %arg18[%swap3A_260, %swap3A_261] {strides = array<i32>} : memref<16x16xf32, #tpu.memory_space<vmem>>, vector<16xf32>,
      tpu.vector_store %arg18[%swap3A_260, %swap3A_261], %scan3A_249#2 {strides = array<i32>} : memref<16x16xf32, #tpu.memory_space<vmem>>, vector<16xf32>,
      %swap3A_263 = arith.constant 11 : i32
      %swap3A_264 = arith.index_cast %swap3A_263 : i32 to index
      %swap3A_265 = arith.constant 0 : index
      %swap3A_266 = tpu.vector_load %arg18[%swap3A_264, %swap3A_265] {strides = array<i32>} : memref<16x16xf32, #tpu.memory_space<vmem>>, vector<16xf32>,
      tpu.vector_store %arg18[%swap3A_264, %swap3A_265], %scan3A_249#3 {strides = array<i32>} : memref<16x16xf32, #tpu.memory_space<vmem>>, vector<16xf32>,
      %add3A_267 = arith.constant 3 : i32
      %add3A_268 = arith.addi %mul3A_98, %add3A_267 : i32
      %add3A_269 = arith.constant 4 : i32
      %add3A_270 = arith.addi %add3A_268, %add3A_269 : i32
      %sub3A_271 = arith.constant 1 : i32
      %sub3A_272 = arith.subi %add3A_270, %sub3A_271 : i32
      %lt3A_273 = arith.constant 128 : i32
      %lt3A_274 = arith.cmpi slt, %sub3A_272, %lt3A_273 : i32
      %convert_element_type3A_275 = arith.extui %lt3A_274 : i1 to i32
      %cond3A_276 = arith.constant 0 : i32
      %cond3A_277 = arith.cmpi ne, %convert_element_type3A_275, %cond3A_276 : i32
      scf.if %cond3A_277 {
        %add3A_395 = arith.constant 4 : i32
        %add3A_396 = arith.addi %add3A_268, %add3A_395 : i32
        %sub3A_397 = arith.constant 1 : i32
        %sub3A_398 = arith.subi %add3A_396, %sub3A_397 : i32
        %mul3A_399 = arith.constant 4 : i32
        %mul3A_400 = arith.muli %sub3A_398, %mul3A_399 : i32
        %add3A_401 = arith.addi %mul3A_2, %mul3A_400 : i32
        %mul3A_402 = arith.constant 50 : i32
        %mul3A_403 = arith.muli %add3A_401, %mul3A_402 : i32
        %dma_wait3A_404 = tpu.memref_slice %arg2[%mul3A_403] : memref<819200xi32, #tpu.memory_space<hbm>> -> memref<200xi32, #tpu.memory_space<hbm>>
        %dma_wait3A_405 = tpu.memref_slice %arg2[%mul3A_403] : memref<819200xi32, #tpu.memory_space<hbm>> -> memref<200xi32, #tpu.memory_space<hbm>>
        tpu.wait_dma2 semaphore(%arg25 : memref<!tpu.dma_semaphore, #tpu.memory_space<semaphore_mem>>) src(%dma_wait3A_405 : memref<200xi32, #tpu.memory_space<hbm>>) dst(%arg9 : memref<200xi32, #tpu.memory_space<vmem>>)
        %add3A_406 = arith.constant 4 : i32
        %add3A_407 = arith.addi %add3A_268, %add3A_406 : i32
        %sub3A_408 = arith.constant 1 : i32
        %sub3A_409 = arith.subi %add3A_407, %sub3A_408 : i32
        %dma_start3A_410 = arith.constant 0 : i32
        %dma_start3A_411 = arith.constant 0 : i32
        %dma_start3A_412 = tpu.memref_slice %arg13[%dma_start3A_410, %dma_start3A_411] : memref<200x128xf32, #tpu.memory_space<vmem>> -> memref<128x128xf32, #tpu.memory_space<vmem>>
        %dma_start3A_413 = arith.constant 0 : i32
        %dma_start3A_414 = tpu.memref_slice %arg9[%dma_start3A_413] : memref<200xi32, #tpu.memory_space<vmem>> -> memref<128xi32, #tpu.memory_space<vmem>>
        %dma_start3A_415 = arith.constant 0 : i32
        %dma_start3A_416 = arith.constant 0 : i32
        %dma_start3A_417 = tpu.memref_slice %arg5[%dma_start3A_415, %dma_start3A_416] : memref<1000000x128xf32, #tpu.memory_space<hbm>> -> memref<1000000x128xf32, #tpu.memory_space<hbm>>
        tpu.enqueue_indirect_dma source(%dma_start3A_417 : memref<1000000x128xf32, #tpu.memory_space<hbm>>) target(%dma_start3A_412 : memref<128x128xf32, #tpu.memory_space<vmem>>) offsets(%dma_start3A_414 : memref<128xi32, #tpu.memory_space<vmem>>) semaphore(%arg21 : memref<!tpu.dma_semaphore, #tpu.memory_space<semaphore_mem>>)
        %dma_start3A_418 = arith.constant 128 : i32
        %dma_start3A_419 = arith.constant 0 : i32
        %dma_start3A_420 = tpu.memref_slice %arg13[%dma_start3A_418, %dma_start3A_419] : memref<200x128xf32, #tpu.memory_space<vmem>> -> memref<72x128xf32, #tpu.memory_space<vmem>>
        %dma_start3A_421 = arith.constant 128 : i32
        %dma_start3A_422 = tpu.memref_slice %arg9[%dma_start3A_421] : memref<200xi32, #tpu.memory_space<vmem>> -> memref<72xi32, #tpu.memory_space<vmem>>
        %dma_start3A_423 = arith.constant 0 : i32
        %dma_start3A_424 = arith.constant 0 : i32
        %dma_start3A_425 = tpu.memref_slice %arg5[%dma_start3A_423, %dma_start3A_424] : memref<1000000x128xf32, #tpu.memory_space<hbm>> -> memref<1000000x128xf32, #tpu.memory_space<hbm>>
        tpu.enqueue_indirect_dma source(%dma_start3A_425 : memref<1000000x128xf32, #tpu.memory_space<hbm>>) target(%dma_start3A_420 : memref<72x128xf32, #tpu.memory_space<vmem>>) offsets(%dma_start3A_422 : memref<72xi32, #tpu.memory_space<vmem>>) semaphore(%arg21 : memref<!tpu.dma_semaphore, #tpu.memory_space<semaphore_mem>>)
      } else {
      }
      %dma_wait3A_278 = arith.constant 0 : i32
      %dma_wait3A_279 = arith.constant 0 : i32
      %dma_wait3A_280 = tpu.memref_slice %arg14[%dma_wait3A_278, %dma_wait3A_279] : memref<200x128xf32, #tpu.memory_space<vmem>> -> memref<128x128xf32, #tpu.memory_space<vmem>>
      %dma_wait3A_281 = arith.constant 0 : i32
      %dma_wait3A_282 = tpu.memref_slice %arg10[%dma_wait3A_281] : memref<200xi32, #tpu.memory_space<vmem>> -> memref<128xi32, #tpu.memory_space<vmem>>
      %dma_wait3A_283 = arith.constant 0 : i32
      %dma_wait3A_284 = arith.constant 0 : i32
      %dma_wait3A_285 = tpu.memref_slice %arg5[%dma_wait3A_283, %dma_wait3A_284] : memref<1000000x128xf32, #tpu.memory_space<hbm>> -> memref<1000000x128xf32, #tpu.memory_space<hbm>>
      tpu.wait_indirect_dma semaphore(%arg22 : memref<!tpu.dma_semaphore, #tpu.memory_space<semaphore_mem>>) src(%dma_wait3A_285 : memref<1000000x128xf32, #tpu.memory_space<hbm>>) dst(%dma_wait3A_280 : memref<128x128xf32, #tpu.memory_space<vmem>>)
      %dma_wait3A_286 = arith.constant 128 : i32
      %dma_wait3A_287 = arith.constant 0 : i32
      %dma_wait3A_288 = tpu.memref_slice %arg14[%dma_wait3A_286, %dma_wait3A_287] : memref<200x128xf32, #tpu.memory_space<vmem>> -> memref<72x128xf32, #tpu.memory_space<vmem>>
      %dma_wait3A_289 = arith.constant 128 : i32
      %dma_wait3A_290 = tpu.memref_slice %arg10[%dma_wait3A_289] : memref<200xi32, #tpu.memory_space<vmem>> -> memref<72xi32, #tpu.memory_space<vmem>>
      %dma_wait3A_291 = arith.constant 0 : i32
      %dma_wait3A_292 = arith.constant 0 : i32
      %dma_wait3A_293 = tpu.memref_slice %arg5[%dma_wait3A_291, %dma_wait3A_292] : memref<1000000x128xf32, #tpu.memory_space<hbm>> -> memref<1000000x128xf32, #tpu.memory_space<hbm>>
      tpu.wait_indirect_dma semaphore(%arg22 : memref<!tpu.dma_semaphore, #tpu.memory_space<semaphore_mem>>) src(%dma_wait3A_293 : memref<1000000x128xf32, #tpu.memory_space<hbm>>) dst(%dma_wait3A_288 : memref<72x128xf32, #tpu.memory_space<vmem>>)
      %add3A_294 = arith.constant 4 : i32
      %add3A_295 = arith.addi %add3A_268, %add3A_294 : i32
      %lt3A_296 = arith.constant 128 : i32
      %lt3A_297 = arith.cmpi slt, %add3A_295, %lt3A_296 : i32
      %convert_element_type3A_298 = arith.extui %lt3A_297 : i1 to i32
      %cond3A_299 = arith.constant 0 : i32
      %cond3A_300 = arith.cmpi ne, %convert_element_type3A_298, %cond3A_299 : i32
      scf.if %cond3A_300 {
        %add3A_395 = arith.constant 4 : i32
        %add3A_396 = arith.addi %add3A_268, %add3A_395 : i32
        %mul3A_397 = arith.constant 4 : i32
        %mul3A_398 = arith.muli %add3A_396, %mul3A_397 : i32
        %add3A_399 = arith.addi %mul3A_2, %mul3A_398 : i32
        %mul3A_400 = arith.constant 50 : i32
        %mul3A_401 = arith.muli %add3A_399, %mul3A_400 : i32
        %dma_start3A_402 = tpu.memref_slice %arg2[%mul3A_401] : memref<819200xi32, #tpu.memory_space<hbm>> -> memref<200xi32, #tpu.memory_space<hbm>>
        %dma_start3A_403 = tpu.memref_slice %arg2[%mul3A_401] : memref<819200xi32, #tpu.memory_space<hbm>> -> memref<200xi32, #tpu.memory_space<hbm>>
        tpu.enqueue_dma source(%dma_start3A_403 : memref<200xi32, #tpu.memory_space<hbm>>) target(%arg10 : memref<200xi32, #tpu.memory_space<vmem>>) target_semaphore(%arg26 : memref<!tpu.dma_semaphore, #tpu.memory_space<semaphore_mem>>)
      } else {
      }
      %broadcast_in_dim3A_301 = arith.constant 0.000000e+00 : f32
      %broadcast_in_dim3A_302 = vector.broadcast %broadcast_in_dim3A_301 : f32 to vector<16xf32>
      %scan3A_303 = arith.constant 0 : i32
      %scan3A_304 = arith.constant 50 : i32
      %scan3A_305 = arith.addi %scan3A_303, %scan3A_304 : i32
      %scan3A_306 = arith.constant 1 : i32
      %scan3A_307:4 = scf.for %scan3A_395 = %scan3A_303 to %scan3A_305 step %scan3A_306 iter_args(%scan3A_396 = %broadcast_in_dim3A_302, %scan3A_397 = %broadcast_in_dim3A_302, %scan3A_398 = %broadcast_in_dim3A_302, %scan3A_399 = %broadcast_in_dim3A_302) -> (vector<16xf32>, vector<16xf32>, vector<16xf32>, vector<16xf32>)  : i32 {
        %mul3A_400 = arith.constant 128 : i32
        %mul3A_401 = arith.muli %scan3A_395, %mul3A_400 : i32
        %add3A_402 = arith.constant 0 : i32
        %add3A_403 = arith.addi %mul3A_401, %add3A_402 : i32
        %get3A_404 = arith.index_cast %add3A_403 : i32 to index
        %get3A_405 = tpu.vector_load %arg15[%get3A_404] {strides = array<i32>} : memref<6400xf32, #tpu.memory_space<vmem>>, vector<16xf32>,
        %add3A_406 = arith.constant 0 : i32
        %add3A_407 = arith.addi %add3A_406, %scan3A_395 : i32
        %get3A_408 = arith.index_cast %add3A_407 : i32 to index
        %get3A_409 = arith.constant 0 : index
        %get3A_410 = tpu.vector_load %arg14[%get3A_408, %get3A_409] {strides = array<i32>} : memref<200x128xf32, #tpu.memory_space<vmem>>, vector<16xf32>,
        %mul3A_411 = arith.mulf %get3A_410, %get3A_405 : vector<16xf32>
        %add3A_412 = arith.addf %scan3A_396, %mul3A_411 : vector<16xf32>
        %add3A_413 = arith.constant 50 : i32
        %add3A_414 = arith.addi %add3A_413, %scan3A_395 : i32
        %get3A_415 = arith.index_cast %add3A_414 : i32 to index
        %get3A_416 = arith.constant 0 : index
        %get3A_417 = tpu.vector_load %arg14[%get3A_415, %get3A_416] {strides = array<i32>} : memref<200x128xf32, #tpu.memory_space<vmem>>, vector<16xf32>,
        %mul3A_418 = arith.mulf %get3A_417, %get3A_405 : vector<16xf32>
        %add3A_419 = arith.addf %scan3A_397, %mul3A_418 : vector<16xf32>
        %add3A_420 = arith.constant 100 : i32
        %add3A_421 = arith.addi %add3A_420, %scan3A_395 : i32
        %get3A_422 = arith.index_cast %add3A_421 : i32 to index
        %get3A_423 = arith.constant 0 : index
        %get3A_424 = tpu.vector_load %arg14[%get3A_422, %get3A_423] {strides = array<i32>} : memref<200x128xf32, #tpu.memory_space<vmem>>, vector<16xf32>,
        %mul3A_425 = arith.mulf %get3A_424, %get3A_405 : vector<16xf32>
        %add3A_426 = arith.addf %scan3A_398, %mul3A_425 : vector<16xf32>
        %add3A_427 = arith.constant 150 : i32
        %add3A_428 = arith.addi %add3A_427, %scan3A_395 : i32
        %get3A_429 = arith.index_cast %add3A_428 : i32 to index
        %get3A_430 = arith.constant 0 : index
        %get3A_431 = tpu.vector_load %arg14[%get3A_429, %get3A_430] {strides = array<i32>} : memref<200x128xf32, #tpu.memory_space<vmem>>, vector<16xf32>,
        %mul3A_432 = arith.mulf %get3A_431, %get3A_405 : vector<16xf32>
        %add3A_433 = arith.addf %scan3A_399, %mul3A_432 : vector<16xf32>
        %mul3A_434 = arith.constant 128 : i32
        %mul3A_435 = arith.muli %scan3A_395, %mul3A_434 : i32
        %add3A_436 = arith.constant 16 : i32
        %add3A_437 = arith.addi %mul3A_435, %add3A_436 : i32
        %get3A_438 = arith.index_cast %add3A_437 : i32 to index
        %get3A_439 = tpu.vector_load %arg15[%get3A_438] {strides = array<i32>} : memref<6400xf32, #tpu.memory_space<vmem>>, vector<16xf32>,
        %add3A_440 = arith.constant 0 : i32
        %add3A_441 = arith.addi %add3A_440, %scan3A_395 : i32
        %get3A_442 = arith.index_cast %add3A_441 : i32 to index
        %get3A_443 = arith.constant 16 : index
        %get3A_444 = tpu.vector_load %arg14[%get3A_442, %get3A_443] {strides = array<i32>} : memref<200x128xf32, #tpu.memory_space<vmem>>, vector<16xf32>,
        %mul3A_445 = arith.mulf %get3A_444, %get3A_439 : vector<16xf32>
        %add3A_446 = arith.addf %add3A_412, %mul3A_445 : vector<16xf32>
        %add3A_447 = arith.constant 50 : i32
        %add3A_448 = arith.addi %add3A_447, %scan3A_395 : i32
        %get3A_449 = arith.index_cast %add3A_448 : i32 to index
        %get3A_450 = arith.constant 16 : index
        %get3A_451 = tpu.vector_load %arg14[%get3A_449, %get3A_450] {strides = array<i32>} : memref<200x128xf32, #tpu.memory_space<vmem>>, vector<16xf32>,
        %mul3A_452 = arith.mulf %get3A_451, %get3A_439 : vector<16xf32>
        %add3A_453 = arith.addf %add3A_419, %mul3A_452 : vector<16xf32>
        %add3A_454 = arith.constant 100 : i32
        %add3A_455 = arith.addi %add3A_454, %scan3A_395 : i32
        %get3A_456 = arith.index_cast %add3A_455 : i32 to index
        %get3A_457 = arith.constant 16 : index
        %get3A_458 = tpu.vector_load %arg14[%get3A_456, %get3A_457] {strides = array<i32>} : memref<200x128xf32, #tpu.memory_space<vmem>>, vector<16xf32>,
        %mul3A_459 = arith.mulf %get3A_458, %get3A_439 : vector<16xf32>
        %add3A_460 = arith.addf %add3A_426, %mul3A_459 : vector<16xf32>
        %add3A_461 = arith.constant 150 : i32
        %add3A_462 = arith.addi %add3A_461, %scan3A_395 : i32
        %get3A_463 = arith.index_cast %add3A_462 : i32 to index
        %get3A_464 = arith.constant 16 : index
        %get3A_465 = tpu.vector_load %arg14[%get3A_463, %get3A_464] {strides = array<i32>} : memref<200x128xf32, #tpu.memory_space<vmem>>, vector<16xf32>,
        %mul3A_466 = arith.mulf %get3A_465, %get3A_439 : vector<16xf32>
        %add3A_467 = arith.addf %add3A_433, %mul3A_466 : vector<16xf32>
        %mul3A_468 = arith.constant 128 : i32
        %mul3A_469 = arith.muli %scan3A_395, %mul3A_468 : i32
        %add3A_470 = arith.constant 32 : i32
        %add3A_471 = arith.addi %mul3A_469, %add3A_470 : i32
        %get3A_472 = arith.index_cast %add3A_471 : i32 to index
        %get3A_473 = tpu.vector_load %arg15[%get3A_472] {strides = array<i32>} : memref<6400xf32, #tpu.memory_space<vmem>>, vector<16xf32>,
        %add3A_474 = arith.constant 0 : i32
        %add3A_475 = arith.addi %add3A_474, %scan3A_395 : i32
        %get3A_476 = arith.index_cast %add3A_475 : i32 to index
        %get3A_477 = arith.constant 32 : index
        %get3A_478 = tpu.vector_load %arg14[%get3A_476, %get3A_477] {strides = array<i32>} : memref<200x128xf32, #tpu.memory_space<vmem>>, vector<16xf32>,
        %mul3A_479 = arith.mulf %get3A_478, %get3A_473 : vector<16xf32>
        %add3A_480 = arith.addf %add3A_446, %mul3A_479 : vector<16xf32>
        %add3A_481 = arith.constant 50 : i32
        %add3A_482 = arith.addi %add3A_481, %scan3A_395 : i32
        %get3A_483 = arith.index_cast %add3A_482 : i32 to index
        %get3A_484 = arith.constant 32 : index
        %get3A_485 = tpu.vector_load %arg14[%get3A_483, %get3A_484] {strides = array<i32>} : memref<200x128xf32, #tpu.memory_space<vmem>>, vector<16xf32>,
        %mul3A_486 = arith.mulf %get3A_485, %get3A_473 : vector<16xf32>
        %add3A_487 = arith.addf %add3A_453, %mul3A_486 : vector<16xf32>
        %add3A_488 = arith.constant 100 : i32
        %add3A_489 = arith.addi %add3A_488, %scan3A_395 : i32
        %get3A_490 = arith.index_cast %add3A_489 : i32 to index
        %get3A_491 = arith.constant 32 : index
        %get3A_492 = tpu.vector_load %arg14[%get3A_490, %get3A_491] {strides = array<i32>} : memref<200x128xf32, #tpu.memory_space<vmem>>, vector<16xf32>,
        %mul3A_493 = arith.mulf %get3A_492, %get3A_473 : vector<16xf32>
        %add3A_494 = arith.addf %add3A_460, %mul3A_493 : vector<16xf32>
        %add3A_495 = arith.constant 150 : i32
        %add3A_496 = arith.addi %add3A_495, %scan3A_395 : i32
        %get3A_497 = arith.index_cast %add3A_496 : i32 to index
        %get3A_498 = arith.constant 32 : index
        %get3A_499 = tpu.vector_load %arg14[%get3A_497, %get3A_498] {strides = array<i32>} : memref<200x128xf32, #tpu.memory_space<vmem>>, vector<16xf32>,
        %mul3A_500 = arith.mulf %get3A_499, %get3A_473 : vector<16xf32>
        %add3A_501 = arith.addf %add3A_467, %mul3A_500 : vector<16xf32>
        %mul3A_502 = arith.constant 128 : i32
        %mul3A_503 = arith.muli %scan3A_395, %mul3A_502 : i32
        %add3A_504 = arith.constant 48 : i32
        %add3A_505 = arith.addi %mul3A_503, %add3A_504 : i32
        %get3A_506 = arith.index_cast %add3A_505 : i32 to index
        %get3A_507 = tpu.vector_load %arg15[%get3A_506] {strides = array<i32>} : memref<6400xf32, #tpu.memory_space<vmem>>, vector<16xf32>,
        %add3A_508 = arith.constant 0 : i32
        %add3A_509 = arith.addi %add3A_508, %scan3A_395 : i32
        %get3A_510 = arith.index_cast %add3A_509 : i32 to index
        %get3A_511 = arith.constant 48 : index
        %get3A_512 = tpu.vector_load %arg14[%get3A_510, %get3A_511] {strides = array<i32>} : memref<200x128xf32, #tpu.memory_space<vmem>>, vector<16xf32>,
        %mul3A_513 = arith.mulf %get3A_512, %get3A_507 : vector<16xf32>
        %add3A_514 = arith.addf %add3A_480, %mul3A_513 : vector<16xf32>
        %add3A_515 = arith.constant 50 : i32
        %add3A_516 = arith.addi %add3A_515, %scan3A_395 : i32
        %get3A_517 = arith.index_cast %add3A_516 : i32 to index
        %get3A_518 = arith.constant 48 : index
        %get3A_519 = tpu.vector_load %arg14[%get3A_517, %get3A_518] {strides = array<i32>} : memref<200x128xf32, #tpu.memory_space<vmem>>, vector<16xf32>,
        %mul3A_520 = arith.mulf %get3A_519, %get3A_507 : vector<16xf32>
        %add3A_521 = arith.addf %add3A_487, %mul3A_520 : vector<16xf32>
        %add3A_522 = arith.constant 100 : i32
        %add3A_523 = arith.addi %add3A_522, %scan3A_395 : i32
        %get3A_524 = arith.index_cast %add3A_523 : i32 to index
        %get3A_525 = arith.constant 48 : index
        %get3A_526 = tpu.vector_load %arg14[%get3A_524, %get3A_525] {strides = array<i32>} : memref<200x128xf32, #tpu.memory_space<vmem>>, vector<16xf32>,
        %mul3A_527 = arith.mulf %get3A_526, %get3A_507 : vector<16xf32>
        %add3A_528 = arith.addf %add3A_494, %mul3A_527 : vector<16xf32>
        %add3A_529 = arith.constant 150 : i32
        %add3A_530 = arith.addi %add3A_529, %scan3A_395 : i32
        %get3A_531 = arith.index_cast %add3A_530 : i32 to index
        %get3A_532 = arith.constant 48 : index
        %get3A_533 = tpu.vector_load %arg14[%get3A_531, %get3A_532] {strides = array<i32>} : memref<200x128xf32, #tpu.memory_space<vmem>>, vector<16xf32>,
        %mul3A_534 = arith.mulf %get3A_533, %get3A_507 : vector<16xf32>
        %add3A_535 = arith.addf %add3A_501, %mul3A_534 : vector<16xf32>
        %mul3A_536 = arith.constant 128 : i32
        %mul3A_537 = arith.muli %scan3A_395, %mul3A_536 : i32
        %add3A_538 = arith.constant 64 : i32
        %add3A_539 = arith.addi %mul3A_537, %add3A_538 : i32
        %get3A_540 = arith.index_cast %add3A_539 : i32 to index
        %get3A_541 = tpu.vector_load %arg15[%get3A_540] {strides = array<i32>} : memref<6400xf32, #tpu.memory_space<vmem>>, vector<16xf32>,
        %add3A_542 = arith.constant 0 : i32
        %add3A_543 = arith.addi %add3A_542, %scan3A_395 : i32
        %get3A_544 = arith.index_cast %add3A_543 : i32 to index
        %get3A_545 = arith.constant 64 : index
        %get3A_546 = tpu.vector_load %arg14[%get3A_544, %get3A_545] {strides = array<i32>} : memref<200x128xf32, #tpu.memory_space<vmem>>, vector<16xf32>,
        %mul3A_547 = arith.mulf %get3A_546, %get3A_541 : vector<16xf32>
        %add3A_548 = arith.addf %add3A_514, %mul3A_547 : vector<16xf32>
        %add3A_549 = arith.constant 50 : i32
        %add3A_550 = arith.addi %add3A_549, %scan3A_395 : i32
        %get3A_551 = arith.index_cast %add3A_550 : i32 to index
        %get3A_552 = arith.constant 64 : index
        %get3A_553 = tpu.vector_load %arg14[%get3A_551, %get3A_552] {strides = array<i32>} : memref<200x128xf32, #tpu.memory_space<vmem>>, vector<16xf32>,
        %mul3A_554 = arith.mulf %get3A_553, %get3A_541 : vector<16xf32>
        %add3A_555 = arith.addf %add3A_521, %mul3A_554 : vector<16xf32>
        %add3A_556 = arith.constant 100 : i32
        %add3A_557 = arith.addi %add3A_556, %scan3A_395 : i32
        %get3A_558 = arith.index_cast %add3A_557 : i32 to index
        %get3A_559 = arith.constant 64 : index
        %get3A_560 = tpu.vector_load %arg14[%get3A_558, %get3A_559] {strides = array<i32>} : memref<200x128xf32, #tpu.memory_space<vmem>>, vector<16xf32>,
        %mul3A_561 = arith.mulf %get3A_560, %get3A_541 : vector<16xf32>
        %add3A_562 = arith.addf %add3A_528, %mul3A_561 : vector<16xf32>
        %add3A_563 = arith.constant 150 : i32
        %add3A_564 = arith.addi %add3A_563, %scan3A_395 : i32
        %get3A_565 = arith.index_cast %add3A_564 : i32 to index
        %get3A_566 = arith.constant 64 : index
        %get3A_567 = tpu.vector_load %arg14[%get3A_565, %get3A_566] {strides = array<i32>} : memref<200x128xf32, #tpu.memory_space<vmem>>, vector<16xf32>,
        %mul3A_568 = arith.mulf %get3A_567, %get3A_541 : vector<16xf32>
        %add3A_569 = arith.addf %add3A_535, %mul3A_568 : vector<16xf32>
        %mul3A_570 = arith.constant 128 : i32
        %mul3A_571 = arith.muli %scan3A_395, %mul3A_570 : i32
        %add3A_572 = arith.constant 80 : i32
        %add3A_573 = arith.addi %mul3A_571, %add3A_572 : i32
        %get3A_574 = arith.index_cast %add3A_573 : i32 to index
        %get3A_575 = tpu.vector_load %arg15[%get3A_574] {strides = array<i32>} : memref<6400xf32, #tpu.memory_space<vmem>>, vector<16xf32>,
        %add3A_576 = arith.constant 0 : i32
        %add3A_577 = arith.addi %add3A_576, %scan3A_395 : i32
        %get3A_578 = arith.index_cast %add3A_577 : i32 to index
        %get3A_579 = arith.constant 80 : index
        %get3A_580 = tpu.vector_load %arg14[%get3A_578, %get3A_579] {strides = array<i32>} : memref<200x128xf32, #tpu.memory_space<vmem>>, vector<16xf32>,
        %mul3A_581 = arith.mulf %get3A_580, %get3A_575 : vector<16xf32>
        %add3A_582 = arith.addf %add3A_548, %mul3A_581 : vector<16xf32>
        %add3A_583 = arith.constant 50 : i32
        %add3A_584 = arith.addi %add3A_583, %scan3A_395 : i32
        %get3A_585 = arith.index_cast %add3A_584 : i32 to index
        %get3A_586 = arith.constant 80 : index
        %get3A_587 = tpu.vector_load %arg14[%get3A_585, %get3A_586] {strides = array<i32>} : memref<200x128xf32, #tpu.memory_space<vmem>>, vector<16xf32>,
        %mul3A_588 = arith.mulf %get3A_587, %get3A_575 : vector<16xf32>
        %add3A_589 = arith.addf %add3A_555, %mul3A_588 : vector<16xf32>
        %add3A_590 = arith.constant 100 : i32
        %add3A_591 = arith.addi %add3A_590, %scan3A_395 : i32
        %get3A_592 = arith.index_cast %add3A_591 : i32 to index
        %get3A_593 = arith.constant 80 : index
        %get3A_594 = tpu.vector_load %arg14[%get3A_592, %get3A_593] {strides = array<i32>} : memref<200x128xf32, #tpu.memory_space<vmem>>, vector<16xf32>,
        %mul3A_595 = arith.mulf %get3A_594, %get3A_575 : vector<16xf32>
        %add3A_596 = arith.addf %add3A_562, %mul3A_595 : vector<16xf32>
        %add3A_597 = arith.constant 150 : i32
        %add3A_598 = arith.addi %add3A_597, %scan3A_395 : i32
        %get3A_599 = arith.index_cast %add3A_598 : i32 to index
        %get3A_600 = arith.constant 80 : index
        %get3A_601 = tpu.vector_load %arg14[%get3A_599, %get3A_600] {strides = array<i32>} : memref<200x128xf32, #tpu.memory_space<vmem>>, vector<16xf32>,
        %mul3A_602 = arith.mulf %get3A_601, %get3A_575 : vector<16xf32>
        %add3A_603 = arith.addf %add3A_569, %mul3A_602 : vector<16xf32>
        %mul3A_604 = arith.constant 128 : i32
        %mul3A_605 = arith.muli %scan3A_395, %mul3A_604 : i32
        %add3A_606 = arith.constant 96 : i32
        %add3A_607 = arith.addi %mul3A_605, %add3A_606 : i32
        %get3A_608 = arith.index_cast %add3A_607 : i32 to index
        %get3A_609 = tpu.vector_load %arg15[%get3A_608] {strides = array<i32>} : memref<6400xf32, #tpu.memory_space<vmem>>, vector<16xf32>,
        %add3A_610 = arith.constant 0 : i32
        %add3A_611 = arith.addi %add3A_610, %scan3A_395 : i32
        %get3A_612 = arith.index_cast %add3A_611 : i32 to index
        %get3A_613 = arith.constant 96 : index
        %get3A_614 = tpu.vector_load %arg14[%get3A_612, %get3A_613] {strides = array<i32>} : memref<200x128xf32, #tpu.memory_space<vmem>>, vector<16xf32>,
        %mul3A_615 = arith.mulf %get3A_614, %get3A_609 : vector<16xf32>
        %add3A_616 = arith.addf %add3A_582, %mul3A_615 : vector<16xf32>
        %add3A_617 = arith.constant 50 : i32
        %add3A_618 = arith.addi %add3A_617, %scan3A_395 : i32
        %get3A_619 = arith.index_cast %add3A_618 : i32 to index
        %get3A_620 = arith.constant 96 : index
        %get3A_621 = tpu.vector_load %arg14[%get3A_619, %get3A_620] {strides = array<i32>} : memref<200x128xf32, #tpu.memory_space<vmem>>, vector<16xf32>,
        %mul3A_622 = arith.mulf %get3A_621, %get3A_609 : vector<16xf32>
        %add3A_623 = arith.addf %add3A_589, %mul3A_622 : vector<16xf32>
        %add3A_624 = arith.constant 100 : i32
        %add3A_625 = arith.addi %add3A_624, %scan3A_395 : i32
        %get3A_626 = arith.index_cast %add3A_625 : i32 to index
        %get3A_627 = arith.constant 96 : index
        %get3A_628 = tpu.vector_load %arg14[%get3A_626, %get3A_627] {strides = array<i32>} : memref<200x128xf32, #tpu.memory_space<vmem>>, vector<16xf32>,
        %mul3A_629 = arith.mulf %get3A_628, %get3A_609 : vector<16xf32>
        %add3A_630 = arith.addf %add3A_596, %mul3A_629 : vector<16xf32>
        %add3A_631 = arith.constant 150 : i32
        %add3A_632 = arith.addi %add3A_631, %scan3A_395 : i32
        %get3A_633 = arith.index_cast %add3A_632 : i32 to index
        %get3A_634 = arith.constant 96 : index
        %get3A_635 = tpu.vector_load %arg14[%get3A_633, %get3A_634] {strides = array<i32>} : memref<200x128xf32, #tpu.memory_space<vmem>>, vector<16xf32>,
        %mul3A_636 = arith.mulf %get3A_635, %get3A_609 : vector<16xf32>
        %add3A_637 = arith.addf %add3A_603, %mul3A_636 : vector<16xf32>
        %mul3A_638 = arith.constant 128 : i32
        %mul3A_639 = arith.muli %scan3A_395, %mul3A_638 : i32
        %add3A_640 = arith.constant 112 : i32
        %add3A_641 = arith.addi %mul3A_639, %add3A_640 : i32
        %get3A_642 = arith.index_cast %add3A_641 : i32 to index
        %get3A_643 = tpu.vector_load %arg15[%get3A_642] {strides = array<i32>} : memref<6400xf32, #tpu.memory_space<vmem>>, vector<16xf32>,
        %add3A_644 = arith.constant 0 : i32
        %add3A_645 = arith.addi %add3A_644, %scan3A_395 : i32
        %get3A_646 = arith.index_cast %add3A_645 : i32 to index
        %get3A_647 = arith.constant 112 : index
        %get3A_648 = tpu.vector_load %arg14[%get3A_646, %get3A_647] {strides = array<i32>} : memref<200x128xf32, #tpu.memory_space<vmem>>, vector<16xf32>,
        %mul3A_649 = arith.mulf %get3A_648, %get3A_643 : vector<16xf32>
        %add3A_650 = arith.addf %add3A_616, %mul3A_649 : vector<16xf32>
        %add3A_651 = arith.constant 50 : i32
        %add3A_652 = arith.addi %add3A_651, %scan3A_395 : i32
        %get3A_653 = arith.index_cast %add3A_652 : i32 to index
        %get3A_654 = arith.constant 112 : index
        %get3A_655 = tpu.vector_load %arg14[%get3A_653, %get3A_654] {strides = array<i32>} : memref<200x128xf32, #tpu.memory_space<vmem>>, vector<16xf32>,
        %mul3A_656 = arith.mulf %get3A_655, %get3A_643 : vector<16xf32>
        %add3A_657 = arith.addf %add3A_623, %mul3A_656 : vector<16xf32>
        %add3A_658 = arith.constant 100 : i32
        %add3A_659 = arith.addi %add3A_658, %scan3A_395 : i32
        %get3A_660 = arith.index_cast %add3A_659 : i32 to index
        %get3A_661 = arith.constant 112 : index
        %get3A_662 = tpu.vector_load %arg14[%get3A_660, %get3A_661] {strides = array<i32>} : memref<200x128xf32, #tpu.memory_space<vmem>>, vector<16xf32>,
        %mul3A_663 = arith.mulf %get3A_662, %get3A_643 : vector<16xf32>
        %add3A_664 = arith.addf %add3A_630, %mul3A_663 : vector<16xf32>
        %add3A_665 = arith.constant 150 : i32
        %add3A_666 = arith.addi %add3A_665, %scan3A_395 : i32
        %get3A_667 = arith.index_cast %add3A_666 : i32 to index
        %get3A_668 = arith.constant 112 : index
        %get3A_669 = tpu.vector_load %arg14[%get3A_667, %get3A_668] {strides = array<i32>} : memref<200x128xf32, #tpu.memory_space<vmem>>, vector<16xf32>,
        %mul3A_670 = arith.mulf %get3A_669, %get3A_643 : vector<16xf32>
        %add3A_671 = arith.addf %add3A_637, %mul3A_670 : vector<16xf32>
        scf.yield %add3A_650, %add3A_657, %add3A_664, %add3A_671 : vector<16xf32>, vector<16xf32>, vector<16xf32>, vector<16xf32>
      }
      %scan3A_308 = arith.constant 50 : i32
      %swap3A_309 = arith.constant 12 : i32
      %swap3A_310 = arith.index_cast %swap3A_309 : i32 to index
      %swap3A_311 = arith.constant 0 : index
      %swap3A_312 = tpu.vector_load %arg18[%swap3A_310, %swap3A_311] {strides = array<i32>} : memref<16x16xf32, #tpu.memory_space<vmem>>, vector<16xf32>,
      tpu.vector_store %arg18[%swap3A_310, %swap3A_311], %scan3A_307#0 {strides = array<i32>} : memref<16x16xf32, #tpu.memory_space<vmem>>, vector<16xf32>,
      %swap3A_313 = arith.constant 13 : i32
      %swap3A_314 = arith.index_cast %swap3A_313 : i32 to index
      %swap3A_315 = arith.constant 0 : index
      %swap3A_316 = tpu.vector_load %arg18[%swap3A_314, %swap3A_315] {strides = array<i32>} : memref<16x16xf32, #tpu.memory_space<vmem>>, vector<16xf32>,
      tpu.vector_store %arg18[%swap3A_314, %swap3A_315], %scan3A_307#1 {strides = array<i32>} : memref<16x16xf32, #tpu.memory_space<vmem>>, vector<16xf32>,
      %swap3A_317 = arith.constant 14 : i32
      %swap3A_318 = arith.index_cast %swap3A_317 : i32 to index
      %swap3A_319 = arith.constant 0 : index
      %swap3A_320 = tpu.vector_load %arg18[%swap3A_318, %swap3A_319] {strides = array<i32>} : memref<16x16xf32, #tpu.memory_space<vmem>>, vector<16xf32>,
      tpu.vector_store %arg18[%swap3A_318, %swap3A_319], %scan3A_307#2 {strides = array<i32>} : memref<16x16xf32, #tpu.memory_space<vmem>>, vector<16xf32>,
      %swap3A_321 = arith.constant 15 : i32
      %swap3A_322 = arith.index_cast %swap3A_321 : i32 to index
      %swap3A_323 = arith.constant 0 : index
      %swap3A_324 = tpu.vector_load %arg18[%swap3A_322, %swap3A_323] {strides = array<i32>} : memref<16x16xf32, #tpu.memory_space<vmem>>, vector<16xf32>,
      tpu.vector_store %arg18[%swap3A_322, %swap3A_323], %scan3A_307#3 {strides = array<i32>} : memref<16x16xf32, #tpu.memory_space<vmem>>, vector<16xf32>,
      %iota3A = tpu.iota {dimensions = array<i32: 0>} : vector<16xi32>
      %get3A = arith.constant 0 : index
      %get3A_325 = tpu.vector_load %arg16[%get3A] {strides = array<i32>} : memref<16xf32, #tpu.memory_space<vmem>>, vector<16xf32>,
      %broadcast_in_dim3A_326 = arith.constant 0 : i32
      %broadcast_in_dim3A_327 = vector.broadcast %broadcast_in_dim3A_326 : i32 to vector<16xi32>
      %gather3A = tpu.vector_load_idx %arg18[%iota3A, %broadcast_in_dim3A_327] : memref<16x16xf32, #tpu.memory_space<vmem>>[vector<16xi32>, vector<16xi32>], vector<16xf32>,
      %add3A_328 = arith.addf %get3A_325, %gather3A : vector<16xf32>
      %broadcast_in_dim3A_329 = arith.constant 1 : i32
      %broadcast_in_dim3A_330 = vector.broadcast %broadcast_in_dim3A_329 : i32 to vector<16xi32>
      %gather3A_331 = tpu.vector_load_idx %arg18[%iota3A, %broadcast_in_dim3A_330] : memref<16x16xf32, #tpu.memory_space<vmem>>[vector<16xi32>, vector<16xi32>], vector<16xf32>,
      %add3A_332 = arith.addf %add3A_328, %gather3A_331 : vector<16xf32>
      %broadcast_in_dim3A_333 = arith.constant 2 : i32
      %broadcast_in_dim3A_334 = vector.broadcast %broadcast_in_dim3A_333 : i32 to vector<16xi32>
      %gather3A_335 = tpu.vector_load_idx %arg18[%iota3A, %broadcast_in_dim3A_334] : memref<16x16xf32, #tpu.memory_space<vmem>>[vector<16xi32>, vector<16xi32>], vector<16xf32>,
      %add3A_336 = arith.addf %add3A_332, %gather3A_335 : vector<16xf32>
      %broadcast_in_dim3A_337 = arith.constant 3 : i32
      %broadcast_in_dim3A_338 = vector.broadcast %broadcast_in_dim3A_337 : i32 to vector<16xi32>
      %gather3A_339 = tpu.vector_load_idx %arg18[%iota3A, %broadcast_in_dim3A_338] : memref<16x16xf32, #tpu.memory_space<vmem>>[vector<16xi32>, vector<16xi32>], vector<16xf32>,
      %add3A_340 = arith.addf %add3A_336, %gather3A_339 : vector<16xf32>
      %broadcast_in_dim3A_341 = arith.constant 4 : i32
      %broadcast_in_dim3A_342 = vector.broadcast %broadcast_in_dim3A_341 : i32 to vector<16xi32>
      %gather3A_343 = tpu.vector_load_idx %arg18[%iota3A, %broadcast_in_dim3A_342] : memref<16x16xf32, #tpu.memory_space<vmem>>[vector<16xi32>, vector<16xi32>], vector<16xf32>,
      %add3A_344 = arith.addf %add3A_340, %gather3A_343 : vector<16xf32>
      %broadcast_in_dim3A_345 = arith.constant 5 : i32
      %broadcast_in_dim3A_346 = vector.broadcast %broadcast_in_dim3A_345 : i32 to vector<16xi32>
      %gather3A_347 = tpu.vector_load_idx %arg18[%iota3A, %broadcast_in_dim3A_346] : memref<16x16xf32, #tpu.memory_space<vmem>>[vector<16xi32>, vector<16xi32>], vector<16xf32>,
      %add3A_348 = arith.addf %add3A_344, %gather3A_347 : vector<16xf32>
      %broadcast_in_dim3A_349 = arith.constant 6 : i32
      %broadcast_in_dim3A_350 = vector.broadcast %broadcast_in_dim3A_349 : i32 to vector<16xi32>
      %gather3A_351 = tpu.vector_load_idx %arg18[%iota3A, %broadcast_in_dim3A_350] : memref<16x16xf32, #tpu.memory_space<vmem>>[vector<16xi32>, vector<16xi32>], vector<16xf32>,
      %add3A_352 = arith.addf %add3A_348, %gather3A_351 : vector<16xf32>
      %broadcast_in_dim3A_353 = arith.constant 7 : i32
      %broadcast_in_dim3A_354 = vector.broadcast %broadcast_in_dim3A_353 : i32 to vector<16xi32>
      %gather3A_355 = tpu.vector_load_idx %arg18[%iota3A, %broadcast_in_dim3A_354] : memref<16x16xf32, #tpu.memory_space<vmem>>[vector<16xi32>, vector<16xi32>], vector<16xf32>,
      %add3A_356 = arith.addf %add3A_352, %gather3A_355 : vector<16xf32>
      %broadcast_in_dim3A_357 = arith.constant 8 : i32
      %broadcast_in_dim3A_358 = vector.broadcast %broadcast_in_dim3A_357 : i32 to vector<16xi32>
      %gather3A_359 = tpu.vector_load_idx %arg18[%iota3A, %broadcast_in_dim3A_358] : memref<16x16xf32, #tpu.memory_space<vmem>>[vector<16xi32>, vector<16xi32>], vector<16xf32>,
      %add3A_360 = arith.addf %add3A_356, %gather3A_359 : vector<16xf32>
      %broadcast_in_dim3A_361 = arith.constant 9 : i32
      %broadcast_in_dim3A_362 = vector.broadcast %broadcast_in_dim3A_361 : i32 to vector<16xi32>
      %gather3A_363 = tpu.vector_load_idx %arg18[%iota3A, %broadcast_in_dim3A_362] : memref<16x16xf32, #tpu.memory_space<vmem>>[vector<16xi32>, vector<16xi32>], vector<16xf32>,
      %add3A_364 = arith.addf %add3A_360, %gather3A_363 : vector<16xf32>
      %broadcast_in_dim3A_365 = arith.constant 10 : i32
      %broadcast_in_dim3A_366 = vector.broadcast %broadcast_in_dim3A_365 : i32 to vector<16xi32>
      %gather3A_367 = tpu.vector_load_idx %arg18[%iota3A, %broadcast_in_dim3A_366] : memref<16x16xf32, #tpu.memory_space<vmem>>[vector<16xi32>, vector<16xi32>], vector<16xf32>,
      %add3A_368 = arith.addf %add3A_364, %gather3A_367 : vector<16xf32>
      %broadcast_in_dim3A_369 = arith.constant 11 : i32
      %broadcast_in_dim3A_370 = vector.broadcast %broadcast_in_dim3A_369 : i32 to vector<16xi32>
      %gather3A_371 = tpu.vector_load_idx %arg18[%iota3A, %broadcast_in_dim3A_370] : memref<16x16xf32, #tpu.memory_space<vmem>>[vector<16xi32>, vector<16xi32>], vector<16xf32>,
      %add3A_372 = arith.addf %add3A_368, %gather3A_371 : vector<16xf32>
      %broadcast_in_dim3A_373 = arith.constant 12 : i32
      %broadcast_in_dim3A_374 = vector.broadcast %broadcast_in_dim3A_373 : i32 to vector<16xi32>
      %gather3A_375 = tpu.vector_load_idx %arg18[%iota3A, %broadcast_in_dim3A_374] : memref<16x16xf32, #tpu.memory_space<vmem>>[vector<16xi32>, vector<16xi32>], vector<16xf32>,
      %add3A_376 = arith.addf %add3A_372, %gather3A_375 : vector<16xf32>
      %broadcast_in_dim3A_377 = arith.constant 13 : i32
      %broadcast_in_dim3A_378 = vector.broadcast %broadcast_in_dim3A_377 : i32 to vector<16xi32>
      %gather3A_379 = tpu.vector_load_idx %arg18[%iota3A, %broadcast_in_dim3A_378] : memref<16x16xf32, #tpu.memory_space<vmem>>[vector<16xi32>, vector<16xi32>], vector<16xf32>,
      %add3A_380 = arith.addf %add3A_376, %gather3A_379 : vector<16xf32>
      %broadcast_in_dim3A_381 = arith.constant 14 : i32
      %broadcast_in_dim3A_382 = vector.broadcast %broadcast_in_dim3A_381 : i32 to vector<16xi32>
      %gather3A_383 = tpu.vector_load_idx %arg18[%iota3A, %broadcast_in_dim3A_382] : memref<16x16xf32, #tpu.memory_space<vmem>>[vector<16xi32>, vector<16xi32>], vector<16xf32>,
      %add3A_384 = arith.addf %add3A_380, %gather3A_383 : vector<16xf32>
      %broadcast_in_dim3A_385 = arith.constant 15 : i32
      %broadcast_in_dim3A_386 = vector.broadcast %broadcast_in_dim3A_385 : i32 to vector<16xi32>
      %gather3A_387 = tpu.vector_load_idx %arg18[%iota3A, %broadcast_in_dim3A_386] : memref<16x16xf32, #tpu.memory_space<vmem>>[vector<16xi32>, vector<16xi32>], vector<16xf32>,
      %add3A_388 = arith.addf %add3A_384, %gather3A_387 : vector<16xf32>
      %sub3A_389 = arith.constant 3 : i32
      %sub3A_390 = arith.subi %add3A_268, %sub3A_389 : i32
      %mul3A_391 = arith.constant 4 : i32
      %mul3A_392 = arith.muli %sub3A_390, %mul3A_391 : i32
      %swap3A_393 = arith.index_cast %mul3A_392 : i32 to index
      %swap3A_394 = tpu.vector_load %arg17[%swap3A_393] {strides = array<i32>} : memref<512xf32, #tpu.memory_space<vmem>>, vector<16xf32>,
      tpu.vector_store %arg17[%swap3A_393], %add3A_388 {strides = array<i32>} : memref<512xf32, #tpu.memory_space<vmem>>, vector<16xf32>,
    }
    %scan3A_95 = arith.constant 32 : i32
    "tpu.region"() ({
      %run_scoped3A = tpu.sem_alloc : memref<!tpu.dma_semaphore, #tpu.memory_space<semaphore_mem>>
      %dma_start3A_96 = tpu.memref_slice %arg6[%mul3A_2] : memref<16384xf32, #tpu.memory_space<hbm>> -> memref<512xf32, #tpu.memory_space<hbm>>
      %dma_start3A_97 = tpu.memref_slice %arg6[%mul3A_2] : memref<16384xf32, #tpu.memory_space<hbm>> -> memref<512xf32, #tpu.memory_space<hbm>>
      tpu.enqueue_dma source(%arg17 : memref<512xf32, #tpu.memory_space<vmem>>) target(%dma_start3A_97 : memref<512xf32, #tpu.memory_space<hbm>>) target_semaphore(%run_scoped3A : memref<!tpu.dma_semaphore, #tpu.memory_space<semaphore_mem>>)
      %dma_wait3A_98 = tpu.memref_slice %arg6[%mul3A_2] : memref<16384xf32, #tpu.memory_space<hbm>> -> memref<512xf32, #tpu.memory_space<hbm>>
      %dma_wait3A_99 = tpu.memref_slice %arg6[%mul3A_2] : memref<16384xf32, #tpu.memory_space<hbm>> -> memref<512xf32, #tpu.memory_space<hbm>>
      tpu.wait_dma2 semaphore(%run_scoped3A : memref<!tpu.dma_semaphore, #tpu.memory_space<semaphore_mem>>) src(%arg17 : memref<512xf32, #tpu.memory_space<vmem>>) dst(%dma_wait3A_99 : memref<512xf32, #tpu.memory_space<hbm>>)
      tpu.yield
    }) : () -> ()
    return
  }
}

</mosaic_0001>

<sc_bundles>
// kernel: kernel.3.cloned.1.call-start
scs
__scs_entry_jumppad:
0x0: {  	(pc) =	sbr.rel $0x88, $3  }
0x1: {  	(tag) =	ssettag $0x0;
	lr =	simm.s32 $0x1  }
0x2: {  	[smem:$0x3F9D] =	sst lr;
	_ =	strace $0xD0000000  }
0x3: {  	_ = 	snop  }
0x4: {  	_ = 	snop  }
0x5: {  	_ = 	snop  }
0x6: {  	_ = 	snop  }
0x7: {  	_ = 	snop  }
__scs_overlays_trampoline_lowered:
0x8: {  	[smem:$0x3FAC] =	sst s0  }
0x9: {  	[smem:$0x3FAD] =	sst s1  }
0xa: {  	[smem:$0x3FAE] =	sst s2  }
0xb: {  	[smem:$0x3FAF] =	sst s3  }
0xc: {  	[smem:$0x3FB0] =	sst s4  }
0xd: {  	[smem:$0x3FB1] =	sst s5  }
0xe: {  	[smem:$0x3FB2] =	sst s6  }
0xf: {  	[smem:$0x3FB3] =	sst s7  }
0x10: {  	[smem:$0x3FB4] =	sst s8  }
0x11: {  	[smem:$0x3FB5] =	sst s9;
	s0 =	simm.s32 @!p0 $0x0  }
0x12: {  	s1 =	sld [smem:$0x3F9B];
	s0 =	simm.s32 @p0 $0x1  }
0x13: {  	[smem:$0x3FB6] =	sst s0;
	s0 =	simm.s32 @!p1 $0x0  }
0x14: {  	s2 =	sld [smem:$0x3F9A];
	s0 =	simm.s32 @p1 $0x1  }
0x15: {  	[smem:$0x3FB7] =	sst s0;
	s0 =	simm.s32 @!p2 $0x0  }
0x16: {  	s3 =	sld [smem:$0x3FDB];
	s0 =	simm.s32 @p2 $0x1  }
0x17: {  	s4 =	simm.s32 $0x1BF5;
	[smem:$0x3FB9] =	sst s0  }
0x18: {  	s0 =	sld [smem:$0x3F9C];
	_ =	swait.ge [sflag:s4], $0x0  }
0x19: {  	s7 =	sld [smem:$0x3F9D]  }
0x1a: {  	s8 =	sadd.s32 $0xFFFFE003, lr  }
0x1b: {  	s9 =	sadd.s32 $0xFFFFFEF7, lr;
	s5 =	simm.s32 $0xFFFFFFFF;
	p2 =	slt.u32 s8, $0xFFFFF086  }
0x1c: {  	p1 =	slt.u32 s9, $0xF7A;
	s5 =	simm.s32 @!p2 $0x0  }
0x1d: {  	s5 =	simm.s32 @p1 $0x1;
	p0 =	seq.s32 s7, s2  }
0x1e: {  	s7 =	smul.u32 @!p0 $0xF7A, s2;
	p2 =	seq.s32 @!p0 s5, $0x0  }
0x1f: {  	s9 =	smul.u32 $0xF7A, s1;
	s8 =	simm.s32 @!p0 $0x1BF5;
	p2 =	por !p2, p0  }
0x20: {  	[sflag:s8] =	ssyncset.s32 @!p0 $0xFFFFF086;
	s6 =	sadd.s32 @!p0 s3, s7;
	s7 =	simm.s32 @!p0 $0x108  }
0x21: {  	s3 =	sadd.s32 s3, s9;
	s6 =	sadd.s32 @!p0 $0x88, s6;
	s7 =	simm.s32 @p2 $0x1082  }
0x22: {  	[simem:s7], [sflag:s8] =	dma.local @!p0 [hbm:s6], $0xF7A  }
0x23: {  	s9 =	sor.u32 $0xD0000000, s2;
	s6 =	simm.s32 $0x108;
	_ =	swait.ge @!p0 [sflag:s8], $0x0  }
0x24: {  	s3 =	sadd.s32 $0x88, s3;
	s6 =	simm.s32 @!p1 $0x1082;
	[sflag:s4] =	ssyncset.s32 $0xFFFFF086  }
0x25: {  	[simem:s6], [sflag:s4] =	dma.local [hbm:s3], $0xF7A  }
0x26: {  	[smem:$0x3F9D] =	sst s1;
	(tag) =	ssettag s2;
	_ =	strace s9  }
0x27: {  	s1 =	sld [smem:$0x3FAD]  }
0x28: {  	s2 =	sld [smem:$0x3FAE]  }
0x29: {  	s4 =	sld [smem:$0x3FB0]  }
0x2a: {  	p0 =	seq.s32 s5, $0x0;
	s5 =	sld [smem:$0x3FB1]  }
0x2b: {  	s6 =	sld [smem:$0x3FB2]  }
0x2c: {  	s7 =	sld [smem:$0x3FB3]  }
0x2d: {  	s3 =	simm.s32 $0x108;
	s8 =	sld [smem:$0x3FB4]  }
0x2e: {  	s3 =	simm.s32 @!p0 $0x1082;
	s9 =	sld [smem:$0x3FB5]  }
0x2f: {  	lr =	sadd.s32 s0, s3;
	s0 =	sld [smem:$0x3FAC]  }
0x30: {  	s3 =	sld [smem:$0x3FAF]  }
0x31: {  	[smem:$0x3FB8] =	sst s10  }
0x32: {  	s10 =	sld [smem:$0x3FB6];
	_ =	sdelay $0x3  }
0x33: {  	p0 =	seq.s32 s10, $0x1;
	s10 =	sld [smem:$0x3FB8];
	_ =	sdelay $0x3  }
0x34: {  	[smem:$0x3FB8] =	sst s10  }
0x35: {  	s10 =	sld [smem:$0x3FB7];
	_ =	sdelay $0x3  }
0x36: {  	p1 =	seq.s32 s10, $0x1;
	s10 =	sld [smem:$0x3FB8];
	_ =	sdelay $0x3  }
0x37: {  	[smem:$0x3FB8] =	sst s10  }
0x38: {  	s10 =	sld [smem:$0x3FB9]  }
0x39: {  	_ = 	snop;
	(pc) =	sbr.ind lr, $3  }
0x3a: {  	_ = 	snop  }
0x3b: {  	_ = 	snop  }
0x3c: {  	p2 =	seq.s32 s10, $0x1;
	s10 =	sld [smem:$0x3FB8]  }
0x3d: {  	_ =	shalt  }
0x3e: {  	_ =	shalt  }
0x3f: {  	_ =	shalt  }
0x40: {  	_ =	shalt  }
0x41: {  	_ =	shalt  }
0x42: {  	_ =	shalt  }
0x43: {  	_ =	shalt  }
0x44: {  	_ =	shalt  }
0x45: {  	_ =	shalt  }
0x46: {  	_ =	shalt  }
0x47: {  	_ =	shalt  }
0x48: {  	_ =	shalt  }
0x49: {  	_ =	shalt  }
0x4a: {  	_ =	shalt  }
0x4b: {  	_ =	shalt  }
0x4c: {  	_ =	shalt  }
0x4d: {  	_ =	shalt  }
0x4e: {  	_ =	shalt  }
0x4f: {  	_ =	shalt  }
0x50: {  	_ =	shalt  }
0x51: {  	_ =	shalt  }
0x52: {  	_ =	shalt  }
0x53: {  	_ =	shalt  }
0x54: {  	_ =	shalt  }
0x55: {  	_ =	shalt  }
0x56: {  	_ =	shalt  }
0x57: {  	_ =	shalt  }
0x58: {  	_ =	shalt  }
0x59: {  	_ =	shalt  }
0x5a: {  	_ =	shalt  }
0x5b: {  	_ =	shalt  }
0x5c: {  	_ =	shalt  }
0x5d: {  	_ =	shalt  }
0x5e: {  	_ =	shalt  }
0x5f: {  	_ =	shalt  }
0x60: {  	_ =	shalt  }
0x61: {  	_ =	shalt  }
0x62: {  	_ =	shalt  }
0x63: {  	_ =	shalt  }
0x64: {  	_ =	shalt  }
0x65: {  	_ =	shalt  }
0x66: {  	_ =	shalt  }
0x67: {  	_ =	shalt  }
0x68: {  	_ =	shalt  }
0x69: {  	_ =	shalt  }
0x6a: {  	_ =	shalt  }
0x6b: {  	_ =	shalt  }
0x6c: {  	_ =	shalt  }
0x6d: {  	_ =	shalt  }
0x6e: {  	_ =	shalt  }
0x6f: {  	_ =	shalt  }
0x70: {  	_ =	shalt  }
0x71: {  	_ =	shalt  }
0x72: {  	_ =	shalt  }
0x73: {  	_ =	shalt  }
0x74: {  	_ =	shalt  }
0x75: {  	_ =	shalt  }
0x76: {  	_ =	shalt  }
0x77: {  	_ =	shalt  }
0x78: {  	_ =	shalt  }
0x79: {  	_ =	shalt  }
0x7a: {  	_ =	shalt  }
0x7b: {  	_ =	shalt  }
0x7c: {  	_ =	shalt  }
0x7d: {  	_ =	shalt  }
0x7e: {  	_ =	shalt  }
0x7f: {  	_ =	shalt  }
0x80: {  	_ =	shalt  }
0x81: {  	_ =	shalt  }
0x82: {  	_ =	shalt  }
0x83: {  	_ =	shalt  }
0x84: {  	_ =	shalt  }
0x85: {  	_ =	shalt  }
0x86: {  	_ =	shalt  }
0x87: {  	_ =	shalt  }
.Lfunc_end0:
.L_simem_size_0:
called_computation_lowered:
.L_overlay_start_0:
0x88: {  	s2 =	sld [smem:$0x3FD9]  }
0x89: {  	s3 =	sld [smem:$0x3FFE];
	_ =	sdelay $0x1  }
0x8a: {  	s1 =	srdreg.scid  }
0x8b: {  	s0 =	sand.u32 $0x1, s1  }
0x8c: {  	s17 =	sshll.u32 s0, $0xA;
	s2 =	sadd.s32 s3, s2  }
0x8d: {  	s2 =	sadd.s32 s2, s17  }
0x8e: {  	[smem:$0x3FC4] =	sst s2  }
0x8f: {  	_ = 	snop  }
0x90: {  	s2 =	sld [smem:$0x3FC8]  }
0x91: {  	s18 =	sld [smem:$0x3FD0];
	(tm) =	ssettm $0x1  }
0x92: {  	s4 =	sld [smem:$0x3FFB];
	_ =	sdelay $0x3  }
0x93: {  	_ =	strace s4  }
0x94: {  	s4 =	sld [smem:$0x3FFC];
	_ =	sdelay $0x3  }
0x95: {  	_ =	strace s4  }
0x96: {  	s4 =	sld [smem:$0x3FFD];
	_ =	sdelay $0x3  }
0x97: {  	_ =	strace s4  }
0x98: {  	_ =	strace $0x8FFFFFFF  }
0x99: {  	s19 =	sld [smem:$0x3FDB];
	_ =	sdelay $0x1  }
0x9a: {  	s5 =	simm.s32 $_scs_section_size  }
0x9b: {  	s6 =	simm.s32 $_size__tile_overlayer_lowered;
	s7 =	simm.s32 $_tile_overlayer_lowered  }
0x9c: {  	s22 =	simm.s32 $0x1BFF;
	s21 =	sshll.u32 s7, $0x1;
	s4 =	sadd.s32 s5, s19  }
0x9d: {  	s8 =	simm.s32 $0x0;
	s20 =	sshll.u32 s6, $0x1;
	s6 =	sadd.s32 s21, s4  }
0x9e: {  	[timem:s8], [sflag:s22] =	dma.local [hbm:s6], s20  }
0x9f: {  	_ =	swait.ge [sflag:s22], s20  }
0xa0: {  	s5 =	ssub.s32 $0x0, s20;
	[sflag:s22] =	ssyncset.done $0x0  }
0xa1: {  	[sflag:s22] =	ssyncadd.s32 s5;
	_ =	sdelay $0x1  }
0xa2: {  	s23 =	simm.s32 $0x1B8B  }
0xa3: {  	_ =	swait.ge [sflag:s23], $0x1  }
0xa4: {  	[sflag:s23] =	ssyncset.done $0x0  }
0xa5: {  	s25 =	simm.s32 $0x1B8E;
	s24 =	sld [smem:$0x3FFE];
	[sflag:s23] =	ssyncadd.s32 $0xFFFFFFFF  }
0xa6: {  	s26 =	simm.s32 $execute0_lowered;
	[smem:$0x3FD2] =	sst s25  }
0xa7: {  	s6 =	sshll.u32 s26, $0x1;
	_ =	strace $0x80000046;
	[dreg:$0x1] =	wrdreg $0xFFFFFFFF  }
0xa8: {  	s28 =	simm.s32 $_size_execute0_lowered;
	s4 =	sadd.s32 s4, s6;
	[dreg:$0x0] =	wrdreg $0x0  }
0xa9: {  	s6 =	sshll.u32 s28, $0x1;
	[dreg:$0x2] =	wrdreg s4  }
0xaa: {  	[dreg:$0x3] =	wrdreg s6  }
0xab: {  	[dreg:$0x4] =	wrdreg $0xC0  }
0xac: {  	_ =	task [dreg:s8], $0x5FFFF  }
0xad: {  	[dreg:$0x1] =	wrdreg $0xFFFFFFFF  }
0xae: {  	[dreg:$0x0] =	wrdreg $0x60  }
0xaf: {  	[dreg:$0x2] =	wrdreg s24  }
0xb0: {  	[dreg:$0x3] =	wrdreg s2  }
0xb1: {  	[dreg:$0x4] =	wrdreg s18  }
0xb2: {  	[dreg:$0x5] =	wrdreg $0x9  }
0xb3: {  	_ =	task.clear_ibuf [dreg:s8], $0x6FFFF;
	_ =	strace $0x90000046  }
0xb4: {  	s29 =	simm.s32 $0x9;
	_ =	strace $0x80000048  }
0xb5: {  	_ =	swait.ge [sflag:s29], $0x1  }
0xb6: {  	[sflag:s29] =	ssyncadd.s32 $0xFFFFFFFF  }
0xb7: {  	_ =	strace $0x90000048  }
0xb8: {  	_ =	sfence  }
0xb9: {  	s30 =	sld [smem:$0x0];
	_ =	sdelay $0x2  }
0xba: {  	s31 =	sshll.u32 s1, $0xD;
	s1 =	sshrl.u32 s1, $0x2  }
0xbb: {  	s3 =	sand.u32 $0x4000, s31;
	s1 =	sadd.s32 s1, s30  }
0xbc: {  	s0 =	sor.u32 s3, s0;
	s1 =	sshll.u32 s1, $0x11  }
0xbd: {  	s0 =	sor.u32 s1, s0  }
0xbe: {  	s0 =	sadd.s32 $0x8F2B, s0  }
0xbf: {  	[sflag:s0] =	ssyncadd.remote.s32 $0x1  }
0xc0: {  	_ =	sfence.sel $0xFFFF  }
0xc1: {  	[dreg:$0x0] =	wrdreg $0xFFFFFFFF;
	(pc) =	sbr.abs _section_cstart, $3  }
0xc2: {  	[dreg:$0x1] =	wrdreg $0xFFFFFFFF  }
0xc3: {  	_ =	task.clear_ibuf [dreg:s8], $0x2FFFF;
	_ =	strace $0x9FFFFFFF  }
0xc4: {  	(tm) =	ssettm $0x7FFFFFFF  }
0xc5: {  	_ =	shalt  }
tec
execute0_lowered:
.L_overlay_start_1:
0x0: {  	(tag) =	ssettag $0x1  }
0x1: {  	s0 =	rddreg [dreg:$0x0]  }
0x2: {  	s2 =	rddreg [dreg:$0x1]  }
0x3: {  	s1 =	rddreg [dreg:$0x2]  }
0x4: {  	s4 =	srdreg.scid;
	s6 =	stileid.u32;
	s3 =	simm.s32 $0x0  }
0x5: {  	s18 =	simm.s32 $0x9;
	s28 =	simm.s32 $0x6;
	s29 =	simm.s32 $0x13000  }
0x6: {  	s30 =	simm.s32 $0x380;
	s31 =	simm.s32 $0x17000;
	s17 =	simm.s32 $0x1AF80  }
0x7: {  	s19 =	simm.s32 $0x0;
	s5 =	sand.u32 $0x1, s4;
	s22 =	sshll.u32 s6, $0x1  }
0x8: {  	[smem:$0x7FF] =	sst s3;
	s4 =	sadd.s32 $0x200, s0;
	s8 =	sadd.s32 $0x19200, s0  }
0x9: {  	s0 =	sadd.s32 $0x19600, s0;
	_ =	strace $0x80000047;
	[dreg:$0x4] =	wrdreg s8  }
0xa: {  	s6 =	sor.u32 s5, s22;
	s5 =	ssub.s32 $0x2, s5;
	[dreg:$0x5] =	wrdreg s0  }
0xb: {  	s22 =	simm.s32 $0x5;
	s7 =	smul.u32 $0xC80, s6;
	s23 =	sshrl.u32 s5, $0x1  }
0xc: {  	v0 =	vlaneseq.u32;
	s24 =	sshll.u32 s6, $0x9;
	s6 =	sshll.u32 s6, $0x6;
	s0 =	ssub.s32 s5, s23  }
0xd: {  	v0 =	vmul.u32 $0x80, v0;
	s11 =	sor.u32 $0x10, s24;
	s12 =	sor.u32 $0x14, s24;
	s13 =	sor.u32 $0x18, s24  }
0xe: {  	s14 =	sor.u32 $0x1C, s24;
	s15 =	sadd.s32 s1, s6;
	s23 =	simm.s32 $0x80  }
0xf: {  	v1 =	vor.u32 $0x1, v0;
	v2 =	vor.u32 $0x2, v0;
	s24 =	simm.s32 $0x300;
	s1 =	simm.s32 $0x1;
	s7 =	sadd.s32 s4, s7  }
0x10: {  	v3 =	vor.u32 $0x3, v0;
	v4 =	vor.u32 $0x4, v0;
	v5 =	vor.u32 $0x5, v0;
	s16 =	smax.u32 s0, $0x1;
	s0 =	simm.s32 $0x7;
	s25 =	sadd.s32 $0x19, s7  }
0x11: {  	v6 =	vor.u32 $0x6, v0;
	v7 =	vor.u32 $0x7, v0;
	v8 =	vor.u32 $0x8, v0;
	s26 =	sadd.s32 $0x32, s7;
	s10 =	sadd.s32 $0x4B, s7;
	[dreg:$0x6] =	wrdreg s25  }
0x12: {  	v9 =	vor.u32 $0x9, v0;
	v10 =	vor.u32 $0xA, v0;
	v11 =	vor.u32 $0xB, v0;
	[dreg:$0x7] =	wrdreg s26;
	s25 =	simm.s32 $0x48;
	s26 =	simm.s32 $0x8  }
.LBB2_1:
0x13: {  	s5 =	rddreg [dreg:$0x4];
	s6 =	simm.s32 $0x19400  }
0x14: {  	[tilespmem:s6], [sflag:$0x9] =	stream.linear.gather [hbm4b:s5+s3], $0x1900, $0x38;
	[tilespmem:$0x1B780] =	vst v63  }
0x15: {  	_ =	swait.ge [sflag:s18], $0x1900  }
0x16: {  	[sflag:s18] =	ssyncset.done $0x0  }
0x17: {  	s21 =	simm.s32 $0x1AD00;
	s20 =	rddreg [dreg:$0x5];
	[sflag:s18] =	ssyncadd.s32 $0xFFFFE700  }
0x18: {  	[tilespmem:s21], [sflag:$0x9] =	stream.linear.gather [hbm4b:s20+s3], $0x80, $0x38;
	[tilespmem:$0x1B780] =	vst v63  }
0x19: {  	_ =	swait.ge [sflag:s18], $0x80  }
0x1a: {  	[sflag:s18] =	ssyncset.done $0x0  }
0x1b: {  	[sflag:s18] =	ssyncadd.s32 $0xFFFFFF80  }
0x1c: {  	[tilespmem:s3], [sflag:$0x5] =	stream.linear.gather [hbm4b:s7+s3], $0xC8, $0x38;
	[tilespmem:$0x1B780] =	vst v63  }
0x1d: {  	s6 =	simm.s32 $0x100;
	s8 =	rddreg [dreg:$0x6]  }
0x1e: {  	[tilespmem:s6], [sflag:$0x6] =	stream.linear.gather [hbm4b:s8+s3], $0xC8, $0x38;
	[tilespmem:$0x1B780] =	vst v63  }
0x1f: {  	s9 =	rddreg [dreg:$0x7];
	s8 =	simm.s32 $0x200  }
0x20: {  	[tilespmem:s8], [sflag:$0x7] =	stream.linear.gather [hbm4b:s9+s3], $0xC8, $0x38;
	[tilespmem:$0x1B780] =	vst v63  }
0x21: {  	_ =	swait.ge [sflag:s22], $0xC8  }
0x22: {  	[sflag:s22] =	ssyncset.done $0x0  }
0x23: {  	s20 =	simm.s32 $0x400;
	[sflag:s22] =	ssyncadd.s32 $0xFFFFFF38  }
0x24: {  	[tilespmem:s20], [sflag:$0x1] =	stream.indirect.gather [hbm4b:s2+s23], $0x80, s3, s23, $0xb8;
	[tilespmem:$0x1B780] =	vst v63  }
0x25: {  	s21 =	simm.s32 $0x4400  }
0x26: {  	[tilespmem:s21], [sflag:$0x1] =	stream.indirect.gather [hbm4b:s2+s25], $0x80, s23, s25, $0xb8;
	[tilespmem:$0x1B780] =	vst v63  }
0x27: {  	_ =	swait.ge [sflag:s28], $0xC8  }
0x28: {  	[sflag:s28] =	ssyncset.done $0x0  }
0x29: {  	s9 =	simm.s32 $0x6800;
	[sflag:s28] =	ssyncadd.s32 $0xFFFFFF38  }
0x2a: {  	[tilespmem:s9], [sflag:$0x2] =	stream.indirect.gather [hbm4b:s2+s23], $0x80, s6, s23, $0xb8;
	[tilespmem:$0x1B780] =	vst v63  }
0x2b: {  	s20 =	simm.s32 $0x180;
	s21 =	simm.s32 $0xA800  }
0x2c: {  	[tilespmem:s21], [sflag:$0x2] =	stream.indirect.gather [hbm4b:s2+s25], $0x80, s20, s25, $0xb8;
	[tilespmem:$0x1B780] =	vst v63  }
0x2d: {  	_ =	swait.ge [sflag:s0], $0xC8  }
0x2e: {  	[sflag:s0] =	ssyncset.done $0x0  }
0x2f: {  	s9 =	simm.s32 $0xCC00;
	[sflag:s0] =	ssyncadd.s32 $0xFFFFFF38  }
0x30: {  	[tilespmem:s9], [sflag:$0x3] =	stream.indirect.gather [hbm4b:s2+s23], $0x80, s8, s23, $0xb8;
	[tilespmem:$0x1B780] =	vst v63  }
0x31: {  	s20 =	simm.s32 $0x280;
	s21 =	simm.s32 $0x10C00  }
0x32: {  	[tilespmem:s21], [sflag:$0x3] =	stream.indirect.gather [hbm4b:s2+s25], $0x80, s20, s25, $0xb8;
	[tilespmem:$0x1B780] =	vst v63  }
0x33: {  	s20 =	simm.s32 $0x0  }
0x34: {  	[tilespmem:s24], [sflag:$0x8] =	stream.linear.gather [hbm4b:s10+s3], $0xC8, $0x38;
	[tilespmem:$0x1B780] =	vst v63  }
.LBB2_2:
0x35: {  	_ =	swait.ge [sflag:s26], $0xC8  }
0x36: {  	[sflag:s26] =	ssyncset.done $0x0  }
0x37: {  	[sflag:s26] =	ssyncadd.s32 $0xFFFFFF38  }
0x38: {  	[tilespmem:s29], [sflag:$0x4] =	stream.indirect.gather [hbm4b:s2+s23], $0x80, s24, s23, $0xb8;
	[tilespmem:$0x1B780] =	vst v63  }
0x39: {  	_ = 	snop  }
0x3a: {  	[tilespmem:s31], [sflag:$0x4] =	stream.indirect.gather [hbm4b:s2+s25], $0x80, s30, s25, $0xb8;
	[tilespmem:$0x1B780] =	vst v63  }
0x3b: {  	s5 =	sshll.u32 s20, $0x4;
	p0 =	seq.s32 s20, $0x1F;
	_ =	swait.ge [sflag:s1], $0x4000  }
0x3c: {  	s6 =	sadd.s32 @!p0 s5, s11;
	[sflag:s1] =	ssyncset.done $0x0  }
0x3d: {  	s6 =	smul.u32 @!p0 $0x32, s6;
	[sflag:s1] =	ssyncadd.s32 $0xFFFFC000  }
0x3e: {  	_ =	swait.ge [sflag:s1], $0x2400  }
0x3f: {  	s6 =	sshrl.u32 @!p0 s6, $0x3;
	[sflag:s1] =	ssyncset.done $0x0  }
0x40: {  	s21 =	simm.s32 @!p0 $0x0;
	s6 =	sadd.s32 @!p0 s4, s6;
	[sflag:s1] =	ssyncadd.s32 $0xFFFFDC00  }
0x41: {  	[tilespmem:s21], [sflag:$0x5] =	stream.linear.gather @!p0 [hbm4b:s6+s21], $0xC8, $0x38;
	[tilespmem:$0x1B780] =	vst v63  }
0x42: {  	s21 =	simm.s32 $0x0  }
0x43: {  	v12 =	vld [tilespmem:s21+$0x19470]  }
0x44: {  	v15 =	vld [tilespmem:s21+$0x470]  }
0x45: {  	v18 =	vld [tilespmem:s21+$0x1D70]  }
0x46: {  	v13 =	vld [tilespmem:s21+$0x19460]  }
0x47: {  	v19 =	vld [tilespmem:s21+$0x460]  }
0x48: {  	v21 =	vld [tilespmem:s21+$0x1D60]  }
0x49: {  	v14 =	vld [tilespmem:s21+$0x19450]  }
0x4a: {  	v22 =	vld [tilespmem:s21+$0x450]  }
0x4b: {  	v24 =	vld [tilespmem:s21+$0x1D50]  }
0x4c: {  	v17 =	vld [tilespmem:s21+$0x19440]  }
0x4d: {  	v30 =	vld [tilespmem:s21+$0x440]  }
0x4e: {  	v31 =	vld [tilespmem:s21+$0x1D40]  }
0x4f: {  	v20 =	vld [tilespmem:s21+$0x19430]  }
0x50: {  	v32 =	vld [tilespmem:s21+$0x430]  }
0x51: {  	v33 =	vld [tilespmem:s21+$0x1D30]  }
0x52: {  	v23 =	vld [tilespmem:s21+$0x19420]  }
0x53: {  	v35 =	vld [tilespmem:s21+$0x420]  }
0x54: {  	v36 =	vld [tilespmem:s21+$0x1D20]  }
0x55: {  	v28 =	vld [tilespmem:s21+$0x19410]  }
0x56: {  	v37 =	vld [tilespmem:s21+$0x410]  }
0x57: {  	v34 =	vld [tilespmem:s21+$0x1D10]  }
0x58: {  	v25 =	vimm.f32 $0.0e+00;
	v29 =	vld [tilespmem:s21+$0x19400]  }
0x59: {  	v27 =	vimm.f32 $0.0e+00;
	v38 =	vld [tilespmem:s21+$0x400];
	v16 =	vmul.f32 v15, v12;
	v15 =	vmul.f32 v18, v12  }
0x5a: {  	v26 =	vimm.f32 $0.0e+00;
	v39 =	vld [tilespmem:s21+$0x1D00];
	v19 =	vmul.f32 v19, v13;
	v18 =	vmul.f32 v21, v13  }
0x5b: {  	s6 =	simm.s32 $0x200;
	v40 =	vld [tilespmem:s21+$0x3600];
	v22 =	vmul.f32 v22, v14;
	v21 =	vmul.f32 v24, v14;
	v24 =	vimm.f32 $0.0e+00  }
.LBB2_3:
0x5c: {  	p1 =	sne.s32 s6, $0x6200;
	v41 =	vld [tilespmem:s21+$0x4F00];
	v30 =	vmul.f32 v30, v17;
	v31 =	vmul.f32 v31, v17  }
0x5d: {  	v32 =	vmul.f32 v32, v20;
	v33 =	vmul.f32 v33, v20;
	v42 =	vld [tilespmem:s21+$0x3610]  }
0x5e: {  	v35 =	vmul.f32 v35, v23;
	v36 =	vmul.f32 v36, v23;
	v43 =	vld [tilespmem:s21+$0x4F10]  }
0x5f: {  	v37 =	vmul.f32 v37, v28;
	v34 =	vmul.f32 v34, v28;
	v44 =	vld [tilespmem:s21+$0x3620]  }
0x60: {  	v38 =	vmul.f32 v38, v29;
	v39 =	vmul.f32 v39, v29;
	v45 =	vld [tilespmem:s21+$0x4F20]  }
0x61: {  	v40 =	vmul.f32 v40, v29;
	v29 =	vmul.f32 v41, v29;
	v41 =	vld [tilespmem:s21+$0x3630]  }
0x62: {  	v25 =	vadd.f32 v38, v25;
	v27 =	vadd.f32 v39, v27;
	v38 =	vmul.f32 v42, v28;
	v39 =	vld [tilespmem:s21+$0x4F30]  }
0x63: {  	v26 =	vadd.f32 v40, v26;
	v24 =	vadd.f32 v29, v24;
	v28 =	vmul.f32 v43, v28;
	v29 =	vld [tilespmem:s21+$0x3640]  }
0x64: {  	v25 =	vadd.f32 v37, v25;
	v27 =	vadd.f32 v34, v27;
	v34 =	vmul.f32 v44, v23;
	v37 =	vld [tilespmem:s21+$0x4F40]  }
0x65: {  	v26 =	vadd.f32 v38, v26;
	v24 =	vadd.f32 v28, v24;
	v23 =	vmul.f32 v45, v23;
	v28 =	vld [tilespmem:s21+$0x3650]  }
0x66: {  	v25 =	vadd.f32 v35, v25;
	v27 =	vadd.f32 v36, v27;
	v35 =	vmul.f32 v41, v20;
	v36 =	vld [tilespmem:s21+$0x4F50]  }
0x67: {  	v26 =	vadd.f32 v34, v26;
	v23 =	vadd.f32 v23, v24;
	v20 =	vmul.f32 v39, v20;
	v24 =	vld [tilespmem:s21+$0x3660]  }
0x68: {  	v25 =	vadd.f32 v32, v25;
	v27 =	vadd.f32 v33, v27;
	v29 =	vmul.f32 v29, v17;
	v32 =	vld [tilespmem:s21+$0x4F60]  }
0x69: {  	v26 =	vadd.f32 v35, v26;
	v20 =	vadd.f32 v20, v23;
	v17 =	vmul.f32 v37, v17;
	v23 =	vld [tilespmem:s21+$0x3670]  }
0x6a: {  	v25 =	vadd.f32 v30, v25;
	v27 =	vadd.f32 v31, v27;
	v28 =	vmul.f32 v28, v14;
	v30 =	vld [tilespmem:s21+$0x4F70];
	s21 =	sshra.s32 s6, $0x2  }
0x6b: {  	v26 =	vadd.f32 v29, v26;
	v31 =	vld [tilespmem:s21+$0x19470];
	v17 =	vadd.f32 v17, v20;
	v14 =	vmul.f32 v36, v14  }
0x6c: {  	v20 =	vadd.f32 v22, v25;
	v21 =	vadd.f32 v21, v27;
	v39 =	vld [tilespmem:s21+$0x470];
	v22 =	vmul.f32 v24, v13  }
0x6d: {  	v24 =	vadd.f32 v28, v26;
	v40 =	vld [tilespmem:s21+$0x1D70];
	v14 =	vadd.f32 v14, v17;
	v17 =	vmul.f32 v32, v13  }
0x6e: {  	v19 =	vadd.f32 v19, v20;
	v18 =	vadd.f32 v18, v21;
	v13 =	vld [tilespmem:s21+$0x19460];
	v20 =	vmul.f32 v23, v12  }
0x6f: {  	v22 =	vadd.f32 v22, v24;
	v21 =	vld [tilespmem:s21+$0x460];
	v17 =	vadd.f32 v17, v14;
	v23 =	vmul.f32 v30, v12  }
0x70: {  	v25 =	vadd.f32 v16, v19;
	v27 =	vadd.f32 v15, v18;
	v41 =	vld [tilespmem:s21+$0x1D60];
	v12 =	vmov v31  }
0x71: {  	v26 =	vadd.f32 v20, v22;
	v14 =	vld [tilespmem:s21+$0x19450];
	v24 =	vadd.f32 v23, v17  }
0x72: {  	v22 =	vld [tilespmem:s21+$0x450]  }
0x73: {  	v42 =	vld [tilespmem:s21+$0x1D50]  }
0x74: {  	v17 =	vld [tilespmem:s21+$0x19440]  }
0x75: {  	v30 =	vld [tilespmem:s21+$0x440]  }
0x76: {  	v31 =	vld [tilespmem:s21+$0x1D40]  }
0x77: {  	v20 =	vld [tilespmem:s21+$0x19430]  }
0x78: {  	v32 =	vld [tilespmem:s21+$0x430]  }
0x79: {  	v33 =	vld [tilespmem:s21+$0x1D30]  }
0x7a: {  	v23 =	vld [tilespmem:s21+$0x19420]  }
0x7b: {  	v35 =	vld [tilespmem:s21+$0x420]  }
0x7c: {  	v36 =	vld [tilespmem:s21+$0x1D20]  }
0x7d: {  	v28 =	vld [tilespmem:s21+$0x19410]  }
0x7e: {  	v37 =	vld [tilespmem:s21+$0x410]  }
.Ltmp0:
0x7f: {  	v34 =	vld [tilespmem:s21+$0x1D10];
	(pc) =	sbr.rel @p1 .LBB2_3-.Ltmp0, $4  }
0x80: {  	v29 =	vld [tilespmem:s21+$0x19400]  }
0x81: {  	v16 =	vmul.f32 v39, v12;
	v15 =	vmul.f32 v40, v12;
	v38 =	vld [tilespmem:s21+$0x400]  }
0x82: {  	v19 =	vmul.f32 v21, v13;
	v18 =	vmul.f32 v41, v13;
	v39 =	vld [tilespmem:s21+$0x1D00]  }
0x83: {  	s6 =	sadd.s32 $0x200, s6;
	v22 =	vmul.f32 v22, v14;
	v21 =	vmul.f32 v42, v14;
	v40 =	vld [tilespmem:s21+$0x3600]  }
0x84: {  	v41 =	vld [tilespmem:s21+$0x4F00];
	v30 =	vmul.f32 v30, v17;
	v31 =	vmul.f32 v31, v17  }
0x85: {  	v42 =	vld [tilespmem:s21+$0x3610];
	v32 =	vmul.f32 v32, v20;
	v33 =	vmul.f32 v33, v20  }
0x86: {  	v43 =	vld [tilespmem:s21+$0x4F10];
	v35 =	vmul.f32 v35, v23;
	v38 =	vmul.f32 v38, v29  }
0x87: {  	v36 =	vmul.f32 v36, v23;
	v44 =	vld [tilespmem:s21+$0x3620];
	v39 =	vmul.f32 v39, v29  }
0x88: {  	v37 =	vmul.f32 v37, v28;
	v45 =	vld [tilespmem:s21+$0x4F20];
	v40 =	vmul.f32 v40, v29;
	v25 =	vadd.f32 v38, v25  }
0x89: {  	v34 =	vmul.f32 v34, v28;
	v56 =	vld [tilespmem:s21+$0x3630];
	v29 =	vmul.f32 v41, v29;
	v27 =	vadd.f32 v39, v27  }
0x8a: {  	v58 =	vld [tilespmem:s21+$0x4F30];
	v57 =	vmul.f32 v42, v28;
	v26 =	vadd.f32 v40, v26;
	v25 =	vadd.f32 v37, v25  }
0x8b: {  	v28 =	vmul.f32 v43, v28;
	v24 =	vadd.f32 v29, v24;
	v29 =	vld [tilespmem:s21+$0x3640];
	v27 =	vadd.f32 v34, v27  }
0x8c: {  	v60 =	vld [tilespmem:s21+$0x4F40];
	v59 =	vmul.f32 v44, v23;
	v26 =	vadd.f32 v57, v26;
	v25 =	vadd.f32 v35, v25  }
0x8d: {  	v23 =	vmul.f32 v45, v23;
	v24 =	vadd.f32 v28, v24;
	v28 =	vld [tilespmem:s21+$0x3650];
	v27 =	vadd.f32 v36, v27  }
0x8e: {  	v62 =	vld [tilespmem:s21+$0x4F50];
	v61 =	vmul.f32 v56, v20;
	v26 =	vadd.f32 v59, v26;
	v25 =	vadd.f32 v32, v25  }
0x8f: {  	v20 =	vmul.f32 v58, v20;
	v23 =	vadd.f32 v23, v24;
	v24 =	vld [tilespmem:s21+$0x3660];
	v27 =	vadd.f32 v33, v27  }
0x90: {  	v63 =	vld [tilespmem:s21+$0x4F60];
	v29 =	vmul.f32 v29, v17;
	v26 =	vadd.f32 v61, v26;
	v25 =	vadd.f32 v30, v25  }
0x91: {  	v17 =	vmul.f32 v60, v17;
	v20 =	vadd.f32 v20, v23;
	v23 =	vld [tilespmem:s21+$0x3670];
	v27 =	vadd.f32 v31, v27  }
0x92: {  	v30 =	vld [tilespmem:s21+$0x4F70];
	v28 =	vmul.f32 v28, v14;
	v26 =	vadd.f32 v29, v26;
	v22 =	vadd.f32 v22, v25  }
0x93: {  	v14 =	vmul.f32 v62, v14;
	v17 =	vadd.f32 v17, v20;
	v20 =	vadd.f32 v21, v27  }
0x94: {  	v21 =	vmul.f32 v24, v13;
	v24 =	vadd.f32 v28, v26;
	v19 =	vadd.f32 v19, v22  }
0x95: {  	v13 =	vmul.f32 v63, v13;
	v14 =	vadd.f32 v14, v17;
	v17 =	vadd.f32 v18, v20  }
0x96: {  	v18 =	vmul.f32 v23, v12;
	v20 =	vadd.f32 v21, v24;
	v16 =	vadd.f32 v16, v19  }
0x97: {  	v12 =	vmul.f32 v30, v12;
	v13 =	vadd.f32 v13, v14;
	v14 =	vadd.f32 v15, v17  }
0x98: {  	v15 =	vadd.f32 v18, v20;
	[tilespmem:$0x1AF80] =	vst v16  }
0x99: {  	v12 =	vadd.f32 v12, v13;
	[tilespmem:$0x1B000] =	vst v14  }
0x9a: {  	[tilespmem:$0x1B080] =	vst v15  }
0x9b: {  	s6 =	simm.s32 @p0 $0x2;
	[tilespmem:$0x1B100] =	vst v12  }
0x9c: {  	_ =	swait.ge @p0 [sflag:s6], $0x4000  }
0x9d: {  	[sflag:s6] =	ssyncset.done @p0 $0x0  }
0x9e: {  	[sflag:s6] =	ssyncadd.s32 @p0 $0xFFFFC000  }
0x9f: {  	_ =	swait.ge @p0 [sflag:s6], $0x2400  }
0xa0: {  	[sflag:s6] =	ssyncset.done @p0 $0x0  }
0xa1: {  	[sflag:s6] =	ssyncadd.s32 @p0 $0xFFFFDC00;
	s6 =	simm.s32 @!p0 $0x5  }
0xa2: {  	_ =	swait.ge @!p0 [sflag:s6], $0xC8  }
0xa3: {  	s8 =	simm.s32 @!p0 $0x400;
	[sflag:s6] =	ssyncset.done @!p0 $0x0  }
0xa4: {  	s21 =	simm.s32 @!p0 $0x0;
	[sflag:s6] =	ssyncadd.s32 @!p0 $0xFFFFFF38;
	s6 =	simm.s32 @!p0 $0x80  }
0xa5: {  	[tilespmem:s8], [sflag:$0x1] =	stream.indirect.gather @!p0 [hbm4b:s2+s6], $0x80, s21, s6, $0xb8;
	[tilespmem:$0x1B780] =	vst v63  }
0xa6: {  	s9 =	simm.s32 @!p0 $0x4400;
	s8 =	simm.s32 @!p0 $0x48  }
0xa7: {  	[tilespmem:s9], [sflag:$0x1] =	stream.indirect.gather @!p0 [hbm4b:s2+s8], $0x80, s6, s8, $0xb8;
	[tilespmem:$0x1B780] =	vst v63  }
0xa8: {  	s6 =	simm.s32 @!p0 $0x2  }
0xa9: {  	_ =	swait.ge @!p0 [sflag:s6], $0x4000  }
0xaa: {  	s8 =	sadd.s32 @!p0 s5, s12;
	[sflag:s6] =	ssyncset.done @!p0 $0x0  }
0xab: {  	s8 =	smul.u32 @!p0 $0x32, s8;
	[sflag:s6] =	ssyncadd.s32 @!p0 $0xFFFFC000  }
0xac: {  	_ =	swait.ge @!p0 [sflag:s6], $0x2400  }
0xad: {  	s8 =	sshrl.u32 @!p0 s8, $0x3;
	[sflag:s6] =	ssyncset.done @!p0 $0x0  }
0xae: {  	[sflag:s6] =	ssyncadd.s32 @!p0 $0xFFFFDC00;
	s6 =	sadd.s32 @!p0 s4, s8;
	s8 =	simm.s32 @!p0 $0x100  }
0xaf: {  	[tilespmem:s8], [sflag:$0x6] =	stream.linear.gather @!p0 [hbm4b:s6+s21], $0xC8, $0x38;
	[tilespmem:$0x1B780] =	vst v63  }
0xb0: {  	s21 =	simm.s32 $0x0  }
0xb1: {  	v12 =	vld [tilespmem:s21+$0x19470]  }
0xb2: {  	v15 =	vld [tilespmem:s21+$0x6870]  }
0xb3: {  	v18 =	vld [tilespmem:s21+$0x8170]  }
0xb4: {  	v13 =	vld [tilespmem:s21+$0x19460]  }
0xb5: {  	v19 =	vld [tilespmem:s21+$0x6860]  }
0xb6: {  	v21 =	vld [tilespmem:s21+$0x8160]  }
0xb7: {  	v14 =	vld [tilespmem:s21+$0x19450]  }
0xb8: {  	v22 =	vld [tilespmem:s21+$0x6850]  }
0xb9: {  	v24 =	vld [tilespmem:s21+$0x8150]  }
0xba: {  	v17 =	vld [tilespmem:s21+$0x19440]  }
0xbb: {  	v30 =	vld [tilespmem:s21+$0x6840]  }
0xbc: {  	v31 =	vld [tilespmem:s21+$0x8140]  }
0xbd: {  	v20 =	vld [tilespmem:s21+$0x19430]  }
0xbe: {  	v32 =	vld [tilespmem:s21+$0x6830]  }
0xbf: {  	v33 =	vld [tilespmem:s21+$0x8130]  }
0xc0: {  	v23 =	vld [tilespmem:s21+$0x19420]  }
0xc1: {  	v35 =	vld [tilespmem:s21+$0x6820]  }
0xc2: {  	v36 =	vld [tilespmem:s21+$0x8120]  }
0xc3: {  	v28 =	vld [tilespmem:s21+$0x19410]  }
0xc4: {  	v37 =	vld [tilespmem:s21+$0x6810]  }
0xc5: {  	v34 =	vld [tilespmem:s21+$0x8110]  }
0xc6: {  	v25 =	vimm.f32 $0.0e+00;
	v29 =	vld [tilespmem:s21+$0x19400]  }
0xc7: {  	v27 =	vimm.f32 $0.0e+00;
	v38 =	vld [tilespmem:s21+$0x6800];
	v16 =	vmul.f32 v15, v12;
	v15 =	vmul.f32 v18, v12  }
0xc8: {  	v26 =	vimm.f32 $0.0e+00;
	v39 =	vld [tilespmem:s21+$0x8100];
	v19 =	vmul.f32 v19, v13;
	v18 =	vmul.f32 v21, v13  }
0xc9: {  	s6 =	simm.s32 $0x200;
	v40 =	vld [tilespmem:s21+$0x9A00];
	v22 =	vmul.f32 v22, v14;
	v21 =	vmul.f32 v24, v14;
	v24 =	vimm.f32 $0.0e+00  }
.LBB2_5:
0xca: {  	p1 =	sne.s32 s6, $0x6200;
	v41 =	vld [tilespmem:s21+$0xB300];
	v30 =	vmul.f32 v30, v17;
	v31 =	vmul.f32 v31, v17  }
0xcb: {  	v32 =	vmul.f32 v32, v20;
	v33 =	vmul.f32 v33, v20;
	v42 =	vld [tilespmem:s21+$0x9A10]  }
0xcc: {  	v35 =	vmul.f32 v35, v23;
	v36 =	vmul.f32 v36, v23;
	v43 =	vld [tilespmem:s21+$0xB310]  }
0xcd: {  	v37 =	vmul.f32 v37, v28;
	v34 =	vmul.f32 v34, v28;
	v44 =	vld [tilespmem:s21+$0x9A20]  }
0xce: {  	v38 =	vmul.f32 v38, v29;
	v39 =	vmul.f32 v39, v29;
	v45 =	vld [tilespmem:s21+$0xB320]  }
0xcf: {  	v40 =	vmul.f32 v40, v29;
	v29 =	vmul.f32 v41, v29;
	v41 =	vld [tilespmem:s21+$0x9A30]  }
0xd0: {  	v25 =	vadd.f32 v38, v25;
	v27 =	vadd.f32 v39, v27;
	v38 =	vmul.f32 v42, v28;
	v39 =	vld [tilespmem:s21+$0xB330]  }
0xd1: {  	v26 =	vadd.f32 v40, v26;
	v24 =	vadd.f32 v29, v24;
	v28 =	vmul.f32 v43, v28;
	v29 =	vld [tilespmem:s21+$0x9A40]  }
0xd2: {  	v25 =	vadd.f32 v37, v25;
	v27 =	vadd.f32 v34, v27;
	v34 =	vmul.f32 v44, v23;
	v37 =	vld [tilespmem:s21+$0xB340]  }
0xd3: {  	v26 =	vadd.f32 v38, v26;
	v24 =	vadd.f32 v28, v24;
	v23 =	vmul.f32 v45, v23;
	v28 =	vld [tilespmem:s21+$0x9A50]  }
0xd4: {  	v25 =	vadd.f32 v35, v25;
	v27 =	vadd.f32 v36, v27;
	v35 =	vmul.f32 v41, v20;
	v36 =	vld [tilespmem:s21+$0xB350]  }
0xd5: {  	v26 =	vadd.f32 v34, v26;
	v23 =	vadd.f32 v23, v24;
	v20 =	vmul.f32 v39, v20;
	v24 =	vld [tilespmem:s21+$0x9A60]  }
0xd6: {  	v25 =	vadd.f32 v32, v25;
	v27 =	vadd.f32 v33, v27;
	v29 =	vmul.f32 v29, v17;
	v32 =	vld [tilespmem:s21+$0xB360]  }
0xd7: {  	v26 =	vadd.f32 v35, v26;
	v20 =	vadd.f32 v20, v23;
	v17 =	vmul.f32 v37, v17;
	v23 =	vld [tilespmem:s21+$0x9A70]  }
0xd8: {  	v25 =	vadd.f32 v30, v25;
	v27 =	vadd.f32 v31, v27;
	v28 =	vmul.f32 v28, v14;
	v30 =	vld [tilespmem:s21+$0xB370];
	s21 =	sshra.s32 s6, $0x2  }
0xd9: {  	v26 =	vadd.f32 v29, v26;
	v31 =	vld [tilespmem:s21+$0x19470];
	v17 =	vadd.f32 v17, v20;
	v14 =	vmul.f32 v36, v14  }
0xda: {  	v20 =	vadd.f32 v22, v25;
	v21 =	vadd.f32 v21, v27;
	v39 =	vld [tilespmem:s21+$0x6870];
	v22 =	vmul.f32 v24, v13  }
0xdb: {  	v24 =	vadd.f32 v28, v26;
	v40 =	vld [tilespmem:s21+$0x8170];
	v14 =	vadd.f32 v14, v17;
	v17 =	vmul.f32 v32, v13  }
0xdc: {  	v19 =	vadd.f32 v19, v20;
	v18 =	vadd.f32 v18, v21;
	v13 =	vld [tilespmem:s21+$0x19460];
	v20 =	vmul.f32 v23, v12  }
0xdd: {  	v22 =	vadd.f32 v22, v24;
	v21 =	vld [tilespmem:s21+$0x6860];
	v17 =	vadd.f32 v17, v14;
	v23 =	vmul.f32 v30, v12  }
0xde: {  	v25 =	vadd.f32 v16, v19;
	v27 =	vadd.f32 v15, v18;
	v41 =	vld [tilespmem:s21+$0x8160];
	v12 =	vmov v31  }
0xdf: {  	v26 =	vadd.f32 v20, v22;
	v14 =	vld [tilespmem:s21+$0x19450];
	v24 =	vadd.f32 v23, v17  }
0xe0: {  	v22 =	vld [tilespmem:s21+$0x6850]  }
0xe1: {  	v42 =	vld [tilespmem:s21+$0x8150]  }
0xe2: {  	v17 =	vld [tilespmem:s21+$0x19440]  }
0xe3: {  	v30 =	vld [tilespmem:s21+$0x6840]  }
0xe4: {  	v31 =	vld [tilespmem:s21+$0x8140]  }
0xe5: {  	v20 =	vld [tilespmem:s21+$0x19430]  }
0xe6: {  	v32 =	vld [tilespmem:s21+$0x6830]  }
0xe7: {  	v33 =	vld [tilespmem:s21+$0x8130]  }
0xe8: {  	v23 =	vld [tilespmem:s21+$0x19420]  }
0xe9: {  	v35 =	vld [tilespmem:s21+$0x6820]  }
0xea: {  	v36 =	vld [tilespmem:s21+$0x8120]  }
0xeb: {  	v28 =	vld [tilespmem:s21+$0x19410]  }
0xec: {  	v37 =	vld [tilespmem:s21+$0x6810]  }
.Ltmp1:
0xed: {  	v34 =	vld [tilespmem:s21+$0x8110];
	(pc) =	sbr.rel @p1 .LBB2_5-.Ltmp1, $4  }
0xee: {  	v29 =	vld [tilespmem:s21+$0x19400]  }
0xef: {  	v16 =	vmul.f32 v39, v12;
	v15 =	vmul.f32 v40, v12;
	v38 =	vld [tilespmem:s21+$0x6800]  }
0xf0: {  	v19 =	vmul.f32 v21, v13;
	v18 =	vmul.f32 v41, v13;
	v39 =	vld [tilespmem:s21+$0x8100]  }
0xf1: {  	s6 =	sadd.s32 $0x200, s6;
	v22 =	vmul.f32 v22, v14;
	v21 =	vmul.f32 v42, v14;
	v40 =	vld [tilespmem:s21+$0x9A00]  }
0xf2: {  	v41 =	vld [tilespmem:s21+$0xB300];
	v30 =	vmul.f32 v30, v17;
	v31 =	vmul.f32 v31, v17  }
0xf3: {  	v42 =	vld [tilespmem:s21+$0x9A10];
	v32 =	vmul.f32 v32, v20;
	v33 =	vmul.f32 v33, v20  }
0xf4: {  	v43 =	vld [tilespmem:s21+$0xB310];
	v35 =	vmul.f32 v35, v23;
	v38 =	vmul.f32 v38, v29  }
0xf5: {  	v36 =	vmul.f32 v36, v23;
	v44 =	vld [tilespmem:s21+$0x9A20];
	v39 =	vmul.f32 v39, v29  }
0xf6: {  	v37 =	vmul.f32 v37, v28;
	v45 =	vld [tilespmem:s21+$0xB320];
	v40 =	vmul.f32 v40, v29;
	v25 =	vadd.f32 v38, v25  }
0xf7: {  	v34 =	vmul.f32 v34, v28;
	v56 =	vld [tilespmem:s21+$0x9A30];
	v29 =	vmul.f32 v41, v29;
	v27 =	vadd.f32 v39, v27  }
0xf8: {  	v58 =	vld [tilespmem:s21+$0xB330];
	v57 =	vmul.f32 v42, v28;
	v26 =	vadd.f32 v40, v26;
	v25 =	vadd.f32 v37, v25  }
0xf9: {  	v28 =	vmul.f32 v43, v28;
	v24 =	vadd.f32 v29, v24;
	v29 =	vld [tilespmem:s21+$0x9A40];
	v27 =	vadd.f32 v34, v27  }
0xfa: {  	v60 =	vld [tilespmem:s21+$0xB340];
	v59 =	vmul.f32 v44, v23;
	v26 =	vadd.f32 v57, v26;
	v25 =	vadd.f32 v35, v25  }
0xfb: {  	v23 =	vmul.f32 v45, v23;
	v24 =	vadd.f32 v28, v24;
	v28 =	vld [tilespmem:s21+$0x9A50];
	v27 =	vadd.f32 v36, v27  }
0xfc: {  	v62 =	vld [tilespmem:s21+$0xB350];
	v61 =	vmul.f32 v56, v20;
	v26 =	vadd.f32 v59, v26;
	v25 =	vadd.f32 v32, v25  }
0xfd: {  	v20 =	vmul.f32 v58, v20;
	v23 =	vadd.f32 v23, v24;
	v24 =	vld [tilespmem:s21+$0x9A60];
	v27 =	vadd.f32 v33, v27  }
0xfe: {  	v63 =	vld [tilespmem:s21+$0xB360];
	v29 =	vmul.f32 v29, v17;
	v26 =	vadd.f32 v61, v26;
	v25 =	vadd.f32 v30, v25  }
0xff: {  	v17 =	vmul.f32 v60, v17;
	v20 =	vadd.f32 v20, v23;
	v23 =	vld [tilespmem:s21+$0x9A70];
	v27 =	vadd.f32 v31, v27  }
0x100: {  	v30 =	vld [tilespmem:s21+$0xB370];
	v28 =	vmul.f32 v28, v14;
	v26 =	vadd.f32 v29, v26;
	v22 =	vadd.f32 v22, v25  }
0x101: {  	v14 =	vmul.f32 v62, v14;
	v17 =	vadd.f32 v17, v20;
	v20 =	vadd.f32 v21, v27  }
0x102: {  	v21 =	vmul.f32 v24, v13;
	v24 =	vadd.f32 v28, v26;
	v19 =	vadd.f32 v19, v22  }
0x103: {  	v13 =	vmul.f32 v63, v13;
	v14 =	vadd.f32 v14, v17;
	v17 =	vadd.f32 v18, v20  }
0x104: {  	v18 =	vmul.f32 v23, v12;
	v20 =	vadd.f32 v21, v24;
	v16 =	vadd.f32 v16, v19  }
0x105: {  	v12 =	vmul.f32 v30, v12;
	v13 =	vadd.f32 v13, v14;
	v14 =	vadd.f32 v15, v17  }
0x106: {  	v15 =	vadd.f32 v18, v20;
	[tilespmem:$0x1B180] =	vst v16  }
0x107: {  	v12 =	vadd.f32 v12, v13;
	[tilespmem:$0x1B200] =	vst v14  }
0x108: {  	[tilespmem:$0x1B280] =	vst v15  }
0x109: {  	s6 =	simm.s32 @p0 $0x3;
	[tilespmem:$0x1B300] =	vst v12  }
0x10a: {  	_ =	swait.ge @p0 [sflag:s6], $0x4000  }
0x10b: {  	[sflag:s6] =	ssyncset.done @p0 $0x0  }
0x10c: {  	[sflag:s6] =	ssyncadd.s32 @p0 $0xFFFFC000  }
0x10d: {  	_ =	swait.ge @p0 [sflag:s6], $0x2400  }
0x10e: {  	[sflag:s6] =	ssyncset.done @p0 $0x0  }
0x10f: {  	[sflag:s6] =	ssyncadd.s32 @p0 $0xFFFFDC00;
	s6 =	simm.s32 @!p0 $0x6  }
0x110: {  	_ =	swait.ge @!p0 [sflag:s6], $0xC8  }
0x111: {  	s8 =	simm.s32 @!p0 $0x100;
	[sflag:s6] =	ssyncset.done @!p0 $0x0  }
0x112: {  	s9 =	simm.s32 @!p0 $0x6800;
	[sflag:s6] =	ssyncadd.s32 @!p0 $0xFFFFFF38;
	s6 =	simm.s32 @!p0 $0x80  }
0x113: {  	[tilespmem:s9], [sflag:$0x2] =	stream.indirect.gather @!p0 [hbm4b:s2+s6], $0x80, s8, s6, $0xb8;
	[tilespmem:$0x1B780] =	vst v63  }
0x114: {  	s6 =	simm.s32 @!p0 $0x48;
	s8 =	simm.s32 @!p0 $0x180;
	s9 =	simm.s32 @!p0 $0xA800  }
0x115: {  	[tilespmem:s9], [sflag:$0x2] =	stream.indirect.gather @!p0 [hbm4b:s2+s6], $0x80, s8, s6, $0xb8;
	[tilespmem:$0x1B780] =	vst v63  }
0x116: {  	s6 =	simm.s32 @!p0 $0x3  }
0x117: {  	_ =	swait.ge @!p0 [sflag:s6], $0x4000  }
0x118: {  	[sflag:s6] =	ssyncset.done @!p0 $0x0  }
0x119: {  	s8 =	sadd.s32 @!p0 s5, s13;
	[sflag:s6] =	ssyncadd.s32 @!p0 $0xFFFFC000  }
0x11a: {  	s8 =	smul.u32 @!p0 $0x32, s8;
	_ =	swait.ge @!p0 [sflag:s6], $0x2400  }
0x11b: {  	[sflag:s6] =	ssyncset.done @!p0 $0x0  }
0x11c: {  	s21 =	simm.s32 $0x0;
	[sflag:s6] =	ssyncadd.s32 @!p0 $0xFFFFDC00;
	s6 =	sshrl.u32 @!p0 s8, $0x3  }
0x11d: {  	s9 =	simm.s32 @!p0 $0x200;
	s8 =	simm.s32 @!p0 $0x0;
	s6 =	sadd.s32 @!p0 s4, s6  }
0x11e: {  	[tilespmem:s9], [sflag:$0x7] =	stream.linear.gather @!p0 [hbm4b:s6+s8], $0xC8, $0x38;
	[tilespmem:$0x1B780] =	vst v63  }
0x11f: {  	v12 =	vld [tilespmem:s21+$0x19470]  }
0x120: {  	v15 =	vld [tilespmem:s21+$0xCC70]  }
0x121: {  	v18 =	vld [tilespmem:s21+$0xE570]  }
0x122: {  	v13 =	vld [tilespmem:s21+$0x19460]  }
0x123: {  	v19 =	vld [tilespmem:s21+$0xCC60]  }
0x124: {  	v21 =	vld [tilespmem:s21+$0xE560]  }
0x125: {  	v14 =	vld [tilespmem:s21+$0x19450]  }
0x126: {  	v22 =	vld [tilespmem:s21+$0xCC50]  }
0x127: {  	v24 =	vld [tilespmem:s21+$0xE550]  }
0x128: {  	v17 =	vld [tilespmem:s21+$0x19440]  }
0x129: {  	v30 =	vld [tilespmem:s21+$0xCC40]  }
0x12a: {  	v31 =	vld [tilespmem:s21+$0xE540]  }
0x12b: {  	v20 =	vld [tilespmem:s21+$0x19430]  }
0x12c: {  	v32 =	vld [tilespmem:s21+$0xCC30]  }
0x12d: {  	v33 =	vld [tilespmem:s21+$0xE530]  }
0x12e: {  	v23 =	vld [tilespmem:s21+$0x19420]  }
0x12f: {  	v35 =	vld [tilespmem:s21+$0xCC20]  }
0x130: {  	v36 =	vld [tilespmem:s21+$0xE520]  }
0x131: {  	v28 =	vld [tilespmem:s21+$0x19410]  }
0x132: {  	v37 =	vld [tilespmem:s21+$0xCC10]  }
0x133: {  	v34 =	vld [tilespmem:s21+$0xE510]  }
0x134: {  	v25 =	vimm.f32 $0.0e+00;
	v29 =	vld [tilespmem:s21+$0x19400]  }
0x135: {  	v27 =	vimm.f32 $0.0e+00;
	v38 =	vld [tilespmem:s21+$0xCC00];
	v16 =	vmul.f32 v15, v12;
	v15 =	vmul.f32 v18, v12  }
0x136: {  	v26 =	vimm.f32 $0.0e+00;
	v39 =	vld [tilespmem:s21+$0xE500];
	v19 =	vmul.f32 v19, v13;
	v18 =	vmul.f32 v21, v13  }
0x137: {  	s6 =	simm.s32 $0x200;
	v40 =	vld [tilespmem:s21+$0xFE00];
	v22 =	vmul.f32 v22, v14;
	v21 =	vmul.f32 v24, v14;
	v24 =	vimm.f32 $0.0e+00  }
.LBB2_7:
0x138: {  	p1 =	sne.s32 s6, $0x6200;
	v41 =	vld [tilespmem:s21+$0x11700];
	v30 =	vmul.f32 v30, v17;
	v31 =	vmul.f32 v31, v17  }
0x139: {  	v32 =	vmul.f32 v32, v20;
	v33 =	vmul.f32 v33, v20;
	v42 =	vld [tilespmem:s21+$0xFE10]  }
0x13a: {  	v35 =	vmul.f32 v35, v23;
	v36 =	vmul.f32 v36, v23;
	v43 =	vld [tilespmem:s21+$0x11710]  }
0x13b: {  	v37 =	vmul.f32 v37, v28;
	v34 =	vmul.f32 v34, v28;
	v44 =	vld [tilespmem:s21+$0xFE20]  }
0x13c: {  	v38 =	vmul.f32 v38, v29;
	v39 =	vmul.f32 v39, v29;
	v45 =	vld [tilespmem:s21+$0x11720]  }
0x13d: {  	v40 =	vmul.f32 v40, v29;
	v29 =	vmul.f32 v41, v29;
	v41 =	vld [tilespmem:s21+$0xFE30]  }
0x13e: {  	v25 =	vadd.f32 v38, v25;
	v27 =	vadd.f32 v39, v27;
	v38 =	vmul.f32 v42, v28;
	v39 =	vld [tilespmem:s21+$0x11730]  }
0x13f: {  	v26 =	vadd.f32 v40, v26;
	v24 =	vadd.f32 v29, v24;
	v28 =	vmul.f32 v43, v28;
	v29 =	vld [tilespmem:s21+$0xFE40]  }
0x140: {  	v25 =	vadd.f32 v37, v25;
	v27 =	vadd.f32 v34, v27;
	v34 =	vmul.f32 v44, v23;
	v37 =	vld [tilespmem:s21+$0x11740]  }
0x141: {  	v26 =	vadd.f32 v38, v26;
	v24 =	vadd.f32 v28, v24;
	v23 =	vmul.f32 v45, v23;
	v28 =	vld [tilespmem:s21+$0xFE50]  }
0x142: {  	v25 =	vadd.f32 v35, v25;
	v27 =	vadd.f32 v36, v27;
	v35 =	vmul.f32 v41, v20;
	v36 =	vld [tilespmem:s21+$0x11750]  }
0x143: {  	v26 =	vadd.f32 v34, v26;
	v23 =	vadd.f32 v23, v24;
	v20 =	vmul.f32 v39, v20;
	v24 =	vld [tilespmem:s21+$0xFE60]  }
0x144: {  	v25 =	vadd.f32 v32, v25;
	v27 =	vadd.f32 v33, v27;
	v29 =	vmul.f32 v29, v17;
	v32 =	vld [tilespmem:s21+$0x11760]  }
0x145: {  	v26 =	vadd.f32 v35, v26;
	v20 =	vadd.f32 v20, v23;
	v17 =	vmul.f32 v37, v17;
	v23 =	vld [tilespmem:s21+$0xFE70]  }
0x146: {  	v25 =	vadd.f32 v30, v25;
	v27 =	vadd.f32 v31, v27;
	v28 =	vmul.f32 v28, v14;
	v30 =	vld [tilespmem:s21+$0x11770];
	s21 =	sshra.s32 s6, $0x2  }
0x147: {  	v26 =	vadd.f32 v29, v26;
	v31 =	vld [tilespmem:s21+$0x19470];
	v17 =	vadd.f32 v17, v20;
	v14 =	vmul.f32 v36, v14  }
0x148: {  	v20 =	vadd.f32 v22, v25;
	v21 =	vadd.f32 v21, v27;
	v39 =	vld [tilespmem:s21+$0xCC70];
	v22 =	vmul.f32 v24, v13  }
0x149: {  	v24 =	vadd.f32 v28, v26;
	v40 =	vld [tilespmem:s21+$0xE570];
	v14 =	vadd.f32 v14, v17;
	v17 =	vmul.f32 v32, v13  }
0x14a: {  	v19 =	vadd.f32 v19, v20;
	v18 =	vadd.f32 v18, v21;
	v13 =	vld [tilespmem:s21+$0x19460];
	v20 =	vmul.f32 v23, v12  }
0x14b: {  	v22 =	vadd.f32 v22, v24;
	v21 =	vld [tilespmem:s21+$0xCC60];
	v17 =	vadd.f32 v17, v14;
	v23 =	vmul.f32 v30, v12  }
0x14c: {  	v25 =	vadd.f32 v16, v19;
	v27 =	vadd.f32 v15, v18;
	v41 =	vld [tilespmem:s21+$0xE560];
	v12 =	vmov v31  }
0x14d: {  	v26 =	vadd.f32 v20, v22;
	v14 =	vld [tilespmem:s21+$0x19450];
	v24 =	vadd.f32 v23, v17  }
0x14e: {  	v22 =	vld [tilespmem:s21+$0xCC50]  }
0x14f: {  	v42 =	vld [tilespmem:s21+$0xE550]  }
0x150: {  	v17 =	vld [tilespmem:s21+$0x19440]  }
0x151: {  	v30 =	vld [tilespmem:s21+$0xCC40]  }
0x152: {  	v31 =	vld [tilespmem:s21+$0xE540]  }
0x153: {  	v20 =	vld [tilespmem:s21+$0x19430]  }
0x154: {  	v32 =	vld [tilespmem:s21+$0xCC30]  }
0x155: {  	v33 =	vld [tilespmem:s21+$0xE530]  }
0x156: {  	v23 =	vld [tilespmem:s21+$0x19420]  }
0x157: {  	v35 =	vld [tilespmem:s21+$0xCC20]  }
0x158: {  	v36 =	vld [tilespmem:s21+$0xE520]  }
0x159: {  	v28 =	vld [tilespmem:s21+$0x19410]  }
0x15a: {  	v37 =	vld [tilespmem:s21+$0xCC10]  }
.Ltmp2:
0x15b: {  	v34 =	vld [tilespmem:s21+$0xE510];
	(pc) =	sbr.rel @p1 .LBB2_7-.Ltmp2, $4  }
0x15c: {  	v29 =	vld [tilespmem:s21+$0x19400]  }
0x15d: {  	v16 =	vmul.f32 v39, v12;
	v15 =	vmul.f32 v40, v12;
	v38 =	vld [tilespmem:s21+$0xCC00]  }
0x15e: {  	v19 =	vmul.f32 v21, v13;
	v18 =	vmul.f32 v41, v13;
	v39 =	vld [tilespmem:s21+$0xE500]  }
0x15f: {  	s6 =	sadd.s32 $0x200, s6;
	v22 =	vmul.f32 v22, v14;
	v21 =	vmul.f32 v42, v14;
	v40 =	vld [tilespmem:s21+$0xFE00]  }
0x160: {  	v41 =	vld [tilespmem:s21+$0x11700];
	v30 =	vmul.f32 v30, v17;
	v31 =	vmul.f32 v31, v17  }
0x161: {  	v42 =	vld [tilespmem:s21+$0xFE10];
	v32 =	vmul.f32 v32, v20;
	v33 =	vmul.f32 v33, v20  }
0x162: {  	v43 =	vld [tilespmem:s21+$0x11710];
	v35 =	vmul.f32 v35, v23;
	v38 =	vmul.f32 v38, v29  }
0x163: {  	v36 =	vmul.f32 v36, v23;
	v44 =	vld [tilespmem:s21+$0xFE20];
	v39 =	vmul.f32 v39, v29  }
0x164: {  	v37 =	vmul.f32 v37, v28;
	v45 =	vld [tilespmem:s21+$0x11720];
	v40 =	vmul.f32 v40, v29;
	v25 =	vadd.f32 v38, v25  }
0x165: {  	v34 =	vmul.f32 v34, v28;
	v56 =	vld [tilespmem:s21+$0xFE30];
	v29 =	vmul.f32 v41, v29;
	v27 =	vadd.f32 v39, v27  }
0x166: {  	v58 =	vld [tilespmem:s21+$0x11730];
	v57 =	vmul.f32 v42, v28;
	v26 =	vadd.f32 v40, v26;
	v25 =	vadd.f32 v37, v25  }
0x167: {  	v28 =	vmul.f32 v43, v28;
	v24 =	vadd.f32 v29, v24;
	v29 =	vld [tilespmem:s21+$0xFE40];
	v27 =	vadd.f32 v34, v27  }
0x168: {  	v60 =	vld [tilespmem:s21+$0x11740];
	v59 =	vmul.f32 v44, v23;
	v26 =	vadd.f32 v57, v26;
	v25 =	vadd.f32 v35, v25  }
0x169: {  	v23 =	vmul.f32 v45, v23;
	v24 =	vadd.f32 v28, v24;
	v28 =	vld [tilespmem:s21+$0xFE50];
	v27 =	vadd.f32 v36, v27  }
0x16a: {  	v62 =	vld [tilespmem:s21+$0x11750];
	v61 =	vmul.f32 v56, v20;
	v26 =	vadd.f32 v59, v26;
	v25 =	vadd.f32 v32, v25  }
0x16b: {  	v20 =	vmul.f32 v58, v20;
	v23 =	vadd.f32 v23, v24;
	v24 =	vld [tilespmem:s21+$0xFE60];
	v27 =	vadd.f32 v33, v27  }
0x16c: {  	v63 =	vld [tilespmem:s21+$0x11760];
	v29 =	vmul.f32 v29, v17;
	v26 =	vadd.f32 v61, v26;
	v25 =	vadd.f32 v30, v25  }
0x16d: {  	v17 =	vmul.f32 v60, v17;
	v20 =	vadd.f32 v20, v23;
	v23 =	vld [tilespmem:s21+$0xFE70];
	v27 =	vadd.f32 v31, v27  }
0x16e: {  	v30 =	vld [tilespmem:s21+$0x11770];
	v28 =	vmul.f32 v28, v14;
	v26 =	vadd.f32 v29, v26;
	v22 =	vadd.f32 v22, v25  }
0x16f: {  	v14 =	vmul.f32 v62, v14;
	v17 =	vadd.f32 v17, v20;
	v20 =	vadd.f32 v21, v27  }
0x170: {  	v21 =	vmul.f32 v24, v13;
	v24 =	vadd.f32 v28, v26;
	v19 =	vadd.f32 v19, v22  }
0x171: {  	v13 =	vmul.f32 v63, v13;
	v14 =	vadd.f32 v14, v17;
	v17 =	vadd.f32 v18, v20  }
0x172: {  	v18 =	vmul.f32 v23, v12;
	v20 =	vadd.f32 v21, v24;
	v16 =	vadd.f32 v16, v19  }
0x173: {  	v12 =	vmul.f32 v30, v12;
	v13 =	vadd.f32 v13, v14;
	v14 =	vadd.f32 v15, v17  }
0x174: {  	v15 =	vadd.f32 v18, v20;
	[tilespmem:$0x1B380] =	vst v16  }
0x175: {  	v12 =	vadd.f32 v12, v13;
	[tilespmem:$0x1B400] =	vst v14  }
0x176: {  	[tilespmem:$0x1B480] =	vst v15  }
0x177: {  	s6 =	simm.s32 @p0 $0x4;
	[tilespmem:$0x1B500] =	vst v12  }
0x178: {  	_ =	swait.ge @p0 [sflag:s6], $0x4000  }
0x179: {  	[sflag:s6] =	ssyncset.done @p0 $0x0  }
0x17a: {  	[sflag:s6] =	ssyncadd.s32 @p0 $0xFFFFC000  }
0x17b: {  	_ =	swait.ge @p0 [sflag:s6], $0x2400  }
0x17c: {  	[sflag:s6] =	ssyncset.done @p0 $0x0  }
0x17d: {  	[sflag:s6] =	ssyncadd.s32 @p0 $0xFFFFDC00;
	s6 =	simm.s32 @!p0 $0x7  }
0x17e: {  	_ =	swait.ge @!p0 [sflag:s6], $0xC8  }
0x17f: {  	s8 =	simm.s32 @!p0 $0x200;
	[sflag:s6] =	ssyncset.done @!p0 $0x0  }
0x180: {  	s9 =	simm.s32 @!p0 $0xCC00;
	[sflag:s6] =	ssyncadd.s32 @!p0 $0xFFFFFF38;
	s6 =	simm.s32 @!p0 $0x80  }
0x181: {  	[tilespmem:s9], [sflag:$0x3] =	stream.indirect.gather @!p0 [hbm4b:s2+s6], $0x80, s8, s6, $0xb8;
	[tilespmem:$0x1B780] =	vst v63  }
0x182: {  	s6 =	simm.s32 @!p0 $0x48;
	s8 =	simm.s32 @!p0 $0x280;
	s9 =	simm.s32 @!p0 $0x10C00  }
0x183: {  	[tilespmem:s9], [sflag:$0x3] =	stream.indirect.gather @!p0 [hbm4b:s2+s6], $0x80, s8, s6, $0xb8;
	[tilespmem:$0x1B780] =	vst v63  }
0x184: {  	s6 =	simm.s32 @!p0 $0x4  }
0x185: {  	_ =	swait.ge @!p0 [sflag:s6], $0x4000  }
0x186: {  	[sflag:s6] =	ssyncset.done @!p0 $0x0  }
0x187: {  	s8 =	sadd.s32 @!p0 s5, s14;
	[sflag:s6] =	ssyncadd.s32 @!p0 $0xFFFFC000  }
0x188: {  	s8 =	smul.u32 @!p0 $0x32, s8;
	_ =	swait.ge @!p0 [sflag:s6], $0x2400  }
0x189: {  	[sflag:s6] =	ssyncset.done @!p0 $0x0  }
0x18a: {  	s21 =	simm.s32 $0x0;
	[sflag:s6] =	ssyncadd.s32 @!p0 $0xFFFFDC00;
	s6 =	sshrl.u32 @!p0 s8, $0x3  }
0x18b: {  	s9 =	simm.s32 @!p0 $0x300;
	s8 =	simm.s32 @!p0 $0x0;
	s6 =	sadd.s32 @!p0 s4, s6  }
0x18c: {  	[tilespmem:s9], [sflag:$0x8] =	stream.linear.gather @!p0 [hbm4b:s6+s8], $0xC8, $0x38;
	[tilespmem:$0x1B780] =	vst v63  }
0x18d: {  	v12 =	vld [tilespmem:s21+$0x19470]  }
0x18e: {  	v15 =	vld [tilespmem:s21+$0x13070]  }
0x18f: {  	v18 =	vld [tilespmem:s21+$0x14970]  }
0x190: {  	v13 =	vld [tilespmem:s21+$0x19460]  }
0x191: {  	v19 =	vld [tilespmem:s21+$0x13060]  }
0x192: {  	v21 =	vld [tilespmem:s21+$0x14960]  }
0x193: {  	v14 =	vld [tilespmem:s21+$0x19450]  }
0x194: {  	v22 =	vld [tilespmem:s21+$0x13050]  }
0x195: {  	v24 =	vld [tilespmem:s21+$0x14950]  }
0x196: {  	v17 =	vld [tilespmem:s21+$0x19440]  }
0x197: {  	v30 =	vld [tilespmem:s21+$0x13040]  }
0x198: {  	v31 =	vld [tilespmem:s21+$0x14940]  }
0x199: {  	v20 =	vld [tilespmem:s21+$0x19430]  }
0x19a: {  	v32 =	vld [tilespmem:s21+$0x13030]  }
0x19b: {  	v33 =	vld [tilespmem:s21+$0x14930]  }
0x19c: {  	v23 =	vld [tilespmem:s21+$0x19420]  }
0x19d: {  	v35 =	vld [tilespmem:s21+$0x13020]  }
0x19e: {  	v36 =	vld [tilespmem:s21+$0x14920]  }
0x19f: {  	v28 =	vld [tilespmem:s21+$0x19410]  }
0x1a0: {  	v37 =	vld [tilespmem:s21+$0x13010]  }
0x1a1: {  	v34 =	vld [tilespmem:s21+$0x14910]  }
0x1a2: {  	v25 =	vimm.f32 $0.0e+00;
	v29 =	vld [tilespmem:s21+$0x19400]  }
0x1a3: {  	v27 =	vimm.f32 $0.0e+00;
	v38 =	vld [tilespmem:s21+$0x13000];
	v16 =	vmul.f32 v15, v12;
	v15 =	vmul.f32 v18, v12  }
0x1a4: {  	v26 =	vimm.f32 $0.0e+00;
	v39 =	vld [tilespmem:s21+$0x14900];
	v19 =	vmul.f32 v19, v13;
	v18 =	vmul.f32 v21, v13  }
0x1a5: {  	s6 =	simm.s32 $0x200;
	v40 =	vld [tilespmem:s21+$0x16200];
	v22 =	vmul.f32 v22, v14;
	v21 =	vmul.f32 v24, v14;
	v24 =	vimm.f32 $0.0e+00  }
.LBB2_9:
0x1a6: {  	p0 =	sne.s32 s6, $0x6200;
	v41 =	vld [tilespmem:s21+$0x17B00];
	v30 =	vmul.f32 v30, v17;
	v31 =	vmul.f32 v31, v17  }
0x1a7: {  	v32 =	vmul.f32 v32, v20;
	v33 =	vmul.f32 v33, v20;
	v42 =	vld [tilespmem:s21+$0x16210]  }
0x1a8: {  	v35 =	vmul.f32 v35, v23;
	v36 =	vmul.f32 v36, v23;
	v43 =	vld [tilespmem:s21+$0x17B10]  }
0x1a9: {  	v37 =	vmul.f32 v37, v28;
	v34 =	vmul.f32 v34, v28;
	v44 =	vld [tilespmem:s21+$0x16220]  }
0x1aa: {  	v38 =	vmul.f32 v38, v29;
	v39 =	vmul.f32 v39, v29;
	v45 =	vld [tilespmem:s21+$0x17B20]  }
0x1ab: {  	v40 =	vmul.f32 v40, v29;
	v29 =	vmul.f32 v41, v29;
	v41 =	vld [tilespmem:s21+$0x16230]  }
0x1ac: {  	v25 =	vadd.f32 v38, v25;
	v27 =	vadd.f32 v39, v27;
	v38 =	vmul.f32 v42, v28;
	v39 =	vld [tilespmem:s21+$0x17B30]  }
0x1ad: {  	v26 =	vadd.f32 v40, v26;
	v24 =	vadd.f32 v29, v24;
	v28 =	vmul.f32 v43, v28;
	v29 =	vld [tilespmem:s21+$0x16240]  }
0x1ae: {  	v25 =	vadd.f32 v37, v25;
	v27 =	vadd.f32 v34, v27;
	v34 =	vmul.f32 v44, v23;
	v37 =	vld [tilespmem:s21+$0x17B40]  }
0x1af: {  	v26 =	vadd.f32 v38, v26;
	v24 =	vadd.f32 v28, v24;
	v23 =	vmul.f32 v45, v23;
	v28 =	vld [tilespmem:s21+$0x16250]  }
0x1b0: {  	v25 =	vadd.f32 v35, v25;
	v27 =	vadd.f32 v36, v27;
	v35 =	vmul.f32 v41, v20;
	v36 =	vld [tilespmem:s21+$0x17B50]  }
0x1b1: {  	v26 =	vadd.f32 v34, v26;
	v23 =	vadd.f32 v23, v24;
	v20 =	vmul.f32 v39, v20;
	v24 =	vld [tilespmem:s21+$0x16260]  }
0x1b2: {  	v25 =	vadd.f32 v32, v25;
	v27 =	vadd.f32 v33, v27;
	v29 =	vmul.f32 v29, v17;
	v32 =	vld [tilespmem:s21+$0x17B60]  }
0x1b3: {  	v26 =	vadd.f32 v35, v26;
	v20 =	vadd.f32 v20, v23;
	v17 =	vmul.f32 v37, v17;
	v23 =	vld [tilespmem:s21+$0x16270]  }
0x1b4: {  	v25 =	vadd.f32 v30, v25;
	v27 =	vadd.f32 v31, v27;
	v28 =	vmul.f32 v28, v14;
	v30 =	vld [tilespmem:s21+$0x17B70];
	s21 =	sshra.s32 s6, $0x2  }
0x1b5: {  	v26 =	vadd.f32 v29, v26;
	v31 =	vld [tilespmem:s21+$0x19470];
	v17 =	vadd.f32 v17, v20;
	v14 =	vmul.f32 v36, v14  }
0x1b6: {  	v20 =	vadd.f32 v22, v25;
	v21 =	vadd.f32 v21, v27;
	v39 =	vld [tilespmem:s21+$0x13070];
	v22 =	vmul.f32 v24, v13  }
0x1b7: {  	v24 =	vadd.f32 v28, v26;
	v40 =	vld [tilespmem:s21+$0x14970];
	v14 =	vadd.f32 v14, v17;
	v17 =	vmul.f32 v32, v13  }
0x1b8: {  	v19 =	vadd.f32 v19, v20;
	v18 =	vadd.f32 v18, v21;
	v13 =	vld [tilespmem:s21+$0x19460];
	v20 =	vmul.f32 v23, v12  }
0x1b9: {  	v22 =	vadd.f32 v22, v24;
	v21 =	vld [tilespmem:s21+$0x13060];
	v17 =	vadd.f32 v17, v14;
	v23 =	vmul.f32 v30, v12  }
0x1ba: {  	v25 =	vadd.f32 v16, v19;
	v27 =	vadd.f32 v15, v18;
	v41 =	vld [tilespmem:s21+$0x14960];
	v12 =	vmov v31  }
0x1bb: {  	v26 =	vadd.f32 v20, v22;
	v14 =	vld [tilespmem:s21+$0x19450];
	v24 =	vadd.f32 v23, v17  }
0x1bc: {  	v22 =	vld [tilespmem:s21+$0x13050]  }
0x1bd: {  	v42 =	vld [tilespmem:s21+$0x14950]  }
0x1be: {  	v17 =	vld [tilespmem:s21+$0x19440]  }
0x1bf: {  	v30 =	vld [tilespmem:s21+$0x13040]  }
0x1c0: {  	v31 =	vld [tilespmem:s21+$0x14940]  }
0x1c1: {  	v20 =	vld [tilespmem:s21+$0x19430]  }
0x1c2: {  	v32 =	vld [tilespmem:s21+$0x13030]  }
0x1c3: {  	v33 =	vld [tilespmem:s21+$0x14930]  }
0x1c4: {  	v23 =	vld [tilespmem:s21+$0x19420]  }
0x1c5: {  	v35 =	vld [tilespmem:s21+$0x13020]  }
0x1c6: {  	v36 =	vld [tilespmem:s21+$0x14920]  }
0x1c7: {  	v28 =	vld [tilespmem:s21+$0x19410]  }
0x1c8: {  	v37 =	vld [tilespmem:s21+$0x13010]  }
.Ltmp3:
0x1c9: {  	v34 =	vld [tilespmem:s21+$0x14910];
	(pc) =	sbr.rel @p0 .LBB2_9-.Ltmp3, $4  }
0x1ca: {  	v29 =	vld [tilespmem:s21+$0x19400]  }
0x1cb: {  	v16 =	vmul.f32 v39, v12;
	v15 =	vmul.f32 v40, v12;
	v38 =	vld [tilespmem:s21+$0x13000]  }
0x1cc: {  	v19 =	vmul.f32 v21, v13;
	v18 =	vmul.f32 v41, v13;
	v39 =	vld [tilespmem:s21+$0x14900]  }
0x1cd: {  	s6 =	sadd.s32 $0x200, s6;
	v22 =	vmul.f32 v22, v14;
	v21 =	vmul.f32 v42, v14;
	v40 =	vld [tilespmem:s21+$0x16200]  }
0x1ce: {  	v41 =	vld [tilespmem:s21+$0x17B00];
	v30 =	vmul.f32 v30, v17;
	v31 =	vmul.f32 v31, v17  }
0x1cf: {  	v42 =	vld [tilespmem:s21+$0x16210];
	v32 =	vmul.f32 v32, v20;
	v33 =	vmul.f32 v33, v20  }
0x1d0: {  	v43 =	vld [tilespmem:s21+$0x17B10];
	v35 =	vmul.f32 v35, v23;
	v38 =	vmul.f32 v38, v29  }
0x1d1: {  	v36 =	vmul.f32 v36, v23;
	v44 =	vld [tilespmem:s21+$0x16220];
	v39 =	vmul.f32 v39, v29  }
0x1d2: {  	v37 =	vmul.f32 v37, v28;
	v45 =	vld [tilespmem:s21+$0x17B20];
	v40 =	vmul.f32 v40, v29;
	v25 =	vadd.f32 v38, v25  }
0x1d3: {  	v34 =	vmul.f32 v34, v28;
	v50 =	vld [tilespmem:s21+$0x16230];
	v49 =	vmul.f32 v41, v29;
	v27 =	vadd.f32 v39, v27  }
0x1d4: {  	v52 =	vld [tilespmem:s21+$0x17B30];
	v51 =	vmul.f32 v42, v28;
	v26 =	vadd.f32 v40, v26;
	v25 =	vadd.f32 v37, v25  }
0x1d5: {  	v54 =	vld [tilespmem:s21+$0x16240];
	v53 =	vmul.f32 v43, v28;
	v24 =	vadd.f32 v49, v24;
	v27 =	vadd.f32 v34, v27  }
0x1d6: {  	v56 =	vld [tilespmem:s21+$0x17B40];
	v55 =	vmul.f32 v44, v23;
	v26 =	vadd.f32 v51, v26;
	v25 =	vadd.f32 v35, v25  }
0x1d7: {  	v58 =	vld [tilespmem:s21+$0x16250];
	v57 =	vmul.f32 v45, v23;
	v24 =	vadd.f32 v53, v24;
	v27 =	vadd.f32 v36, v27  }
0x1d8: {  	v60 =	vld [tilespmem:s21+$0x17B50];
	v59 =	vmul.f32 v50, v20;
	v26 =	vadd.f32 v55, v26;
	v25 =	vadd.f32 v32, v25  }
0x1d9: {  	v62 =	vld [tilespmem:s21+$0x16260];
	v61 =	vmul.f32 v52, v20;
	v23 =	vadd.f32 v57, v24;
	v27 =	vadd.f32 v33, v27  }
0x1da: {  	v63 =	vld [tilespmem:s21+$0x17B60];
	v29 =	vmul.f32 v54, v17;
	v26 =	vadd.f32 v59, v26;
	v25 =	vadd.f32 v30, v25  }
0x1db: {  	v34 =	vmul.f32 v56, v17;
	v35 =	vld [tilespmem:s21+$0x16270];
	v20 =	vadd.f32 v61, v23;
	v27 =	vadd.f32 v31, v27  }
0x1dc: {  	v28 =	vmul.f32 v58, v14;
	v37 =	vld [tilespmem:s21+$0x17B70];
	v26 =	vadd.f32 v29, v26;
	v22 =	vadd.f32 v22, v25  }
0x1dd: {  	v38 =	vmul.f32 v60, v14;
	v17 =	vadd.f32 v34, v20;
	v39 =	vadd.f32 v21, v27  }
0x1de: {  	v40 =	vmul.f32 v62, v13;
	v41 =	vadd.f32 v28, v26;
	v19 =	vadd.f32 v19, v22  }
0x1df: {  	v42 =	vmul.f32 v63, v13;
	v14 =	vadd.f32 v38, v17;
	v43 =	vadd.f32 v18, v39  }
0x1e0: {  	v44 =	vmul.f32 v35, v12;
	v45 =	vadd.f32 v40, v41;
	v16 =	vadd.f32 v16, v19  }
0x1e1: {  	v46 =	vmul.f32 v37, v12;
	v13 =	vadd.f32 v42, v14;
	v47 =	vadd.f32 v15, v43  }
0x1e2: {  	v48 =	vadd.f32 v44, v45;
	[tilespmem:$0x1B580] =	vst v16  }
0x1e3: {  	v12 =	vadd.f32 v46, v13;
	[tilespmem:$0x1B600] =	vst v47  }
0x1e4: {  	[tilespmem:$0x1B680] =	vst v48  }
0x1e5: {  	v49 =	vld [tilespmem:$0x1AD00];
	[tilespmem:$0x1B700] =	vst v12  }
0x1e6: {  	v50 =	vld.idx.msk [tilespmem:v0+s17+$0x0], $0xffff;
	_ =	sdelay $0x1  }
0x1e7: {  	v14 =	vld.idx.msk [tilespmem:v1+s17+$0x0], $0xffff;
	_ =	sdelay $0x1  }
0x1e8: {  	v15 =	vld.idx.msk [tilespmem:v2+s17+$0x0], $0xffff  }
0x1e9: {  	v12 =	vadd.f32 v50, v49  }
0x1ea: {  	v51 =	vld.idx.msk [tilespmem:v3+s17+$0x0], $0xffff  }
0x1eb: {  	v12 =	vadd.f32 v14, v12  }
0x1ec: {  	v52 =	vld.idx.msk [tilespmem:v4+s17+$0x0], $0xffff  }
0x1ed: {  	v12 =	vadd.f32 v15, v12  }
0x1ee: {  	v53 =	vld.idx.msk [tilespmem:v5+s17+$0x0], $0xffff  }
0x1ef: {  	v12 =	vadd.f32 v51, v12  }
0x1f0: {  	v54 =	vld.idx.msk [tilespmem:v6+s17+$0x0], $0xffff  }
0x1f1: {  	v12 =	vadd.f32 v52, v12  }
0x1f2: {  	v55 =	vld.idx.msk [tilespmem:v7+s17+$0x0], $0xffff  }
0x1f3: {  	v12 =	vadd.f32 v53, v12  }
0x1f4: {  	v56 =	vld.idx.msk [tilespmem:v8+s17+$0x0], $0xffff  }
0x1f5: {  	v12 =	vadd.f32 v54, v12  }
0x1f6: {  	v57 =	vld.idx.msk [tilespmem:v9+s17+$0x0], $0xffff  }
0x1f7: {  	v58 =	vor.u32 $0xC, v0;
	v12 =	vadd.f32 v55, v12  }
0x1f8: {  	v16 =	vld.idx.msk [tilespmem:v10+s17+$0x0], $0xffff  }
0x1f9: {  	v59 =	vor.u32 $0xD, v0;
	v12 =	vadd.f32 v56, v12  }
0x1fa: {  	v60 =	vld.idx.msk [tilespmem:v11+s17+$0x0], $0xffff  }
0x1fb: {  	v61 =	vor.u32 $0xE, v0;
	v12 =	vadd.f32 v57, v12  }
0x1fc: {  	v14 =	vld.idx.msk [tilespmem:v58+s17+$0x0], $0xffff  }
0x1fd: {  	v62 =	vor.u32 $0xF, v0;
	v12 =	vadd.f32 v16, v12  }
0x1fe: {  	v15 =	vld.idx.msk [tilespmem:v59+s17+$0x0], $0xffff  }
0x1ff: {  	v12 =	vadd.f32 v60, v12  }
0x200: {  	v13 =	vld.idx.msk [tilespmem:v61+s17+$0x0], $0xffff  }
0x201: {  	v12 =	vadd.f32 v14, v12  }
0x202: {  	v63 =	vld.idx.msk [tilespmem:v62+s17+$0x0], $0xffff  }
0x203: {  	s20 =	sadd.s32 $0x1, s20;
	v12 =	vadd.f32 v15, v12  }
0x204: {  	p0 =	sne.s32 s20, $0x20  }
.Ltmp4:
0x205: {  	v12 =	vadd.f32 v13, v12;
	(pc) =	sbr.rel @p0 .LBB2_2-.Ltmp4, $4  }
0x206: {  	_ = 	snop  }
0x207: {  	v12 =	vadd.f32 v63, v12  }
0x208: {  	s5 =	sand.u32 $0x3FFFFFF0, s5  }
0x209: {  	[tilespmem:s5+$0x1AD80] =	vst v12  }
0x20a: {  	s19 =	sadd.s32 $0x1, s19  }
0x20b: {  	p0 =	sne.s32 s19, s16  }
.Ltmp5:
0x20c: {  	s5 =	simm.s32 $0x1AD80;
	(pc) =	sbr.rel @p0 .LBB2_1-.Ltmp5, $4  }
0x20d: {  	[hbm4b:s15+s3] =	stream.linear.scatter [tilespmem:s5], [sflag:$0x9], $0x200, $0x38;
	[tilespmem:$0x1B780] =	vst v63  }
0x20e: {  	_ =	swait.ge [sflag:s18], $0x200  }
0x20f: {  	[sflag:s18] =	ssyncset.done $0x0  }
0x210: {  	[sflag:s18] =	ssyncadd.s32 $0xFFFFFE00  }
0x211: {  	_ =	sfence.sel $0x180000  }
0x212: {  	[bflag:$0x0] =	sbarrier.arrive $0xFFFF  }
0x213: {  	_ =	strace $0x90000047  }
0x214: {  	s0 =	stileid.u32;
	[bflag:$0x2] =	sbarrier.arrive $0xFFFF  }
0x215: {  	p0 =	sne.s32 s0, $0x0;
	s0 =	rddreg [dreg:$0x3]  }
0x216: {  	s0 =	sadd.s32 @!p0 $0x100000, s0  }
0x217: {  	[sflag:s0] =	ssyncadd.tile.s32 @!p0 $0x1;
	_ =	shalt  }
.Lfunc_end2:
_tile_overlayer_lowered:
.L_overlay_start_2:
0x218: {  	(tag) =	ssettag $0x2  }
0x219: {  	s0 =	rddreg [dreg:$0x0];
	s2 =	stileid.u32  }
0x21a: {  	s1 =	rddreg [dreg:$0x1];
	p0 =	sne.s32 s2, $0x0  }
0x21b: {  	s3 =	rddreg [dreg:$0x2];
	[bflag:$0x3] =	sbarrier.arrive $0xFFFF;
	s2 =	simm.s32 @!p0 $0x1C09  }
0x21c: {  	[timem:s3], [sflag:s2] =	dma.local @!p0 [hbm:s0], s1  }
0x21d: {  	s0 =	simm.s32 @!p0 $0x9  }
0x21e: {  	_ =	swait.ge @!p0 [sflag:s0], s1  }
0x21f: {  	s1 =	ssub.s32 @!p0 $0x0, s1;
	[sflag:s0] =	ssyncset.done @!p0 $0x0  }
0x220: {  	[sflag:s0] =	ssyncadd.s32 @!p0 s1  }
0x221: {  	[bflag:$0x3] =	sbarrier.arrive $0xFFFF  }
0x222: {  	_ =	shalt  }

</sc_bundles>
